<compile_context>
chip_gen: v7x
topology: tpu7x:2x2x1
jax: 0.10.2.dev20260603
libtpu: 0.0.44.dev20260713+nightly
codegen_flags: <defaults>
</compile_context>

<pallas_src>
import jax
import jax.numpy as jnp
from jax import lax
from jax.experimental import pallas as pl
from jax.experimental.pallas import tpu as pltpu
from jax.experimental.pallas import tpu_sc as plsc

_B, _N, _C, _D = 16, 4096, 3, 128
_S = 1024
_L = 16
_H = _N // 2
_HS = _S // 2
_VCHUNK = 256


def _fps_body(xyz_hbm, valsf_hbm, mask_hbm, far0_hbm,
              qct_hbm, qv_hbm, qm_hbm,
              x_v, y_v, z_v, dist_v, idx_v, far0_v,
              mrow_v, qm_v, qcx_v, qcy_v, qcz_v, gidx_v, vrows_v,
              mbm_ref, mbi_ref, sem):
    c = lax.axis_index("c")
    s = lax.axis_index("s")
    b = c * 8 + s // 2
    half = s % 2
    base = half * _H
    sp = s ^ 1

    pltpu.sync_copy(xyz_hbm.at[pl.ds(b * 3 * _N, _N)], x_v)
    pltpu.sync_copy(xyz_hbm.at[pl.ds((b * 3 + 1) * _N, _N)], y_v)
    pltpu.sync_copy(xyz_hbm.at[pl.ds((b * 3 + 2) * _N, _N)], z_v)
    pltpu.sync_copy(mask_hbm.at[pl.ds(b * _N, _N)], mrow_v)
    pltpu.sync_copy(far0_hbm, far0_v)

    lanes = lax.iota(jnp.int32, _L)
    lanes_g = lanes + base
    big = jnp.full((_L,), 1e8, jnp.float32)

    @plsc.parallel_loop(0, _H, step=_L, unroll=4)
    def _init(off):
        dist_v[pl.ds(off, _L)] = big

    farv0 = plsc.load_gather(far0_v, [jnp.full((_L,), b, jnp.int32)])
    far0s = jnp.max(farv0)

    mbm_ref[0] = jnp.int32(0)
    mbm_ref[1] = jnp.int32(0)
    mbi_ref[0] = jnp.int32(0)
    mbi_ref[1] = jnp.int32(0)
    plsc.subcore_barrier()

    nacc = 1
    acc0 = (jnp.full((_L,), -1.0, jnp.float32),
            jnp.zeros((_L,), jnp.int32))

    def outer(i, st):
        far, pa0, pa1, pb0, pb1 = st
        farv = jnp.full((_L,), far, jnp.int32)
        plsc.store_scatter(idx_v, [jnp.full((_L,), i, jnp.int32)],
                           farv, mask=lanes == 0)
        cxv = plsc.load_gather(x_v, [farv])
        cyv = plsc.load_gather(y_v, [farv])
        czv = plsc.load_gather(z_v, [farv])

        @plsc.parallel_loop(0, _H, step=nacc * _L, unroll=8,
                            carry=(acc0,) * nacc)
        def accs(off, carry):
            out = []
            for j in range(nacc):
                rmax, ridx = carry[j]
                o = off + j * _L
                g = base + o
                dx = x_v[pl.ds(g, _L)] - cxv
                dy = y_v[pl.ds(g, _L)] - cyv
                dz = z_v[pl.ds(g, _L)] - czv
                d = dx * dx + dz * dz
                d = d + dy * dy
                dcur = dist_v[pl.ds(o, _L)]
                dnew = jnp.minimum(d, dcur)
                dist_v[pl.ds(o, _L)] = dnew
                better = dnew > rmax
                rmax = jnp.where(better, dnew, rmax)
                ridx = jnp.where(better, lanes_g + o, ridx)
                out.append((rmax, ridx))
            return tuple(out)

        rs = [a[0] for a in accs]
        while len(rs) > 1:
            rs = [jnp.maximum(rs[2 * t], rs[2 * t + 1])
                  for t in range(len(rs) // 2)]
        m = jnp.max(rs[0])
        cand = jnp.full((_L,), _N, jnp.int32)
        for j in range(nacc):
            rmax, ridx = accs[j]
            cand = jnp.minimum(cand, jnp.where(rmax == m, ridx,
                                               jnp.int32(_N)))
        li = jnp.min(cand)

        mb = lax.bitcast_convert_type(m, jnp.int32)
        par = i % 2
        ise = par == 0
        pa = jnp.where(ise, pa0, pa1)
        pb = jnp.where(ise, pb0, pb1)
        plsc.fetch_and_add(mbm_ref.at[par], mb - pa, subcore_id=sp)
        plsc.fetch_and_add(mbi_ref.at[par], li - pb, subcore_id=sp)
        plsc.subcore_barrier()
        pmb = mbm_ref[par]
        pib = mbi_ref[par]
        bp = (pmb > mb) | ((pmb == mb) & (pib < li))
        nfar = jnp.where(bp, pib, li)
        return (nfar,
                jnp.where(ise, mb, pa0), jnp.where(ise, pa1, mb),
                jnp.where(ise, li, pb0), jnp.where(ise, pb1, li))

    lax.fori_loop(0, _S, outer,
                  (far0s, jnp.int32(0), jnp.int32(0),
                   jnp.int32(0), jnp.int32(0)))

    @plsc.parallel_loop(0, _HS, step=_L, unroll=2)
    def _gath(off):
        ii = idx_v[pl.ds(half * _HS + off, _L)]
        qcx_v[pl.ds(off, _L)] = plsc.load_gather(x_v, [ii])
        qcy_v[pl.ds(off, _L)] = plsc.load_gather(y_v, [ii])
        qcz_v[pl.ds(off, _L)] = plsc.load_gather(z_v, [ii])
        qm_v[pl.ds(off, _L)] = plsc.load_gather(mrow_v, [ii])
        gidx_v[pl.ds(off, _L)] = ii + b * _N

    pltpu.sync_copy(qcx_v, qct_hbm.at[pl.ds(b * 3 * _S + half * _HS, _HS)])
    pltpu.sync_copy(qcy_v,
                    qct_hbm.at[pl.ds((b * 3 + 1) * _S + half * _HS, _HS)])
    pltpu.sync_copy(qcz_v,
                    qct_hbm.at[pl.ds((b * 3 + 2) * _S + half * _HS, _HS)])
    pltpu.sync_copy(qm_v, qm_hbm.at[pl.ds(b * _S + half * _HS, _HS)])

    def vgath(k, carry):
        roff = k * _VCHUNK
        pltpu.async_copy(valsf_hbm.at[gidx_v.at[pl.ds(roff, _VCHUNK)]],
                         vrows_v, sem).wait()
        pltpu.sync_copy(vrows_v,
                        qv_hbm.at[pl.ds(b * _S + half * _HS + roff,
                                        _VCHUNK)])
        return carry

    lax.fori_loop(0, _HS // _VCHUNK, vgath, 0)


_fps_call = pl.kernel(
    _fps_body,
    mesh=plsc.VectorSubcoreMesh(core_axis_name="c", subcore_axis_name="s"),
    compiler_params=pltpu.CompilerParams(needs_layout_passes=False),
    out_type=[
        jax.ShapeDtypeStruct((_B * _C * _S,), jnp.float32),
        jax.ShapeDtypeStruct((_B * _S, _D), jnp.float32),
        jax.ShapeDtypeStruct((_B * _S,), jnp.float32),
    ],
    scratch_types=[
        pltpu.VMEM((_N,), jnp.float32),
        pltpu.VMEM((_N,), jnp.float32),
        pltpu.VMEM((_N,), jnp.float32),
        pltpu.VMEM((_H,), jnp.float32),
        pltpu.VMEM((_S,), jnp.int32),
        pltpu.VMEM((_B,), jnp.int32),
        pltpu.VMEM((_N,), jnp.float32),
        pltpu.VMEM((_HS,), jnp.float32),
        pltpu.VMEM((_HS,), jnp.float32),
        pltpu.VMEM((_HS,), jnp.float32),
        pltpu.VMEM((_HS,), jnp.float32),
        pltpu.VMEM((_HS,), jnp.int32),
        pltpu.VMEM((_VCHUNK, _D), jnp.float32),
        pltpu.SMEM((2,), jnp.int32),
        pltpu.SMEM((2,), jnp.int32),
        pltpu.SemaphoreType.DMA,
    ],
)


def kernel(coords, values, mask):
    far0 = jax.random.randint(jax.random.key(42), (_B,), 0, _N).astype(jnp.int32)
    xyz = jnp.transpose(coords, (0, 2, 1)).reshape(_B * _C * _N)
    valsf = values.reshape(_B * _N, _D)
    qct, qv, qm = _fps_call(xyz, valsf, mask.reshape(_B * _N), far0)
    qc = jnp.transpose(qct.reshape(_B, _C, _S), (0, 2, 1))
    return (qc, qv.reshape(_B, _S, _D), qm.reshape(_B, _S))

# --- scband reference (transcript-rebuilt; emitter-appended) ---
"""Pipeline reference for scband-euclid-farther-subsample-17952963297847 (READ-ONLY COPY).

The authoritative reference and input builder live on the scoring server;
editing this copy changes nothing except your own understanding.
"""

import jax, jax.numpy as jnp
import numpy as np

SAMPLING_FRACTION = 0.25


def _farthest_point_sample(points, n_sample, key):
    B, N, D = points.shape
    farthest = jax.random.randint(key, (B,), 0, N).astype(jnp.int32)
    distances = jnp.full((B, N), 1e8, dtype=points.dtype)
    batch_idx = jnp.arange(B)
    centroids = jnp.zeros((B, n_sample), dtype=jnp.int32)

    def body(i, state):
        centroids, distances, farthest = state
        centroids = centroids.at[:, i].set(farthest)
        centroid = points[batch_idx, farthest, :][:, None, :]
        dist = jnp.sum((points - centroid) ** 2, axis=-1)
        distances = jnp.where(dist < distances, dist, distances)
        farthest = jnp.argmax(distances, axis=-1).astype(jnp.int32)
        return (centroids, distances, farthest)

    centroids, _, _ = jax.lax.fori_loop(0, n_sample, body, (centroids, distances, farthest))
    return centroids


def _index_points(points, idx):
    B = points.shape[0]
    batch_idx = jnp.arange(B)[:, None]
    return points[batch_idx, idx]


def setup_inputs(seed: int = 0):
    key = jax.random.key(seed)
    k1, k2 = jax.random.split(key)
    B, N, C, D = 16, 4096, 3, 128
    coords = jax.random.normal(k1, (B, N, C), dtype=jnp.float32)
    values = jax.random.normal(k2, (B, N, D), dtype=jnp.float32)
    mask = jnp.ones((B, N), dtype=jnp.float32)
    return {"coords": coords, "values": values, "mask": mask}


def reference(coords, values, mask):
    N = coords.shape[1]
    n_sample = int(round(N * SAMPLING_FRACTION))
    # knn_channels=None -> use all coordinate channels
    idx = _farthest_point_sample(coords, n_sample, jax.random.key(42))
    query_coords = _index_points(coords, idx)
    query_values = _index_points(values, idx)
    query_mask = _index_points(mask, idx)
    return (query_coords, query_values, query_mask)

if __name__ == "__main__":
    import jax
    _d = setup_inputs()
    print(jax.jit(kernel)(*tuple(_d.values())))

</pallas_src>

<mosaic_0001>
#map = affine_map<(d0, d1) -> (0)>
#map1 = affine_map<(d0, d1) -> (0, 0)>
module attributes {stable_mosaic.version = 14 : i64} {
  func.func @_fps_body(%arg0: i32, %arg1: i32, %arg2: memref<196608xf32, #tpu.memory_space<hbm>>, %arg3: memref<65536x128xf32, #tpu.memory_space<hbm>>, %arg4: memref<65536xf32, #tpu.memory_space<hbm>>, %arg5: memref<16xi32, #tpu.memory_space<hbm>>, %arg6: memref<49152xf32, #tpu.memory_space<hbm>>, %arg7: memref<16384x128xf32, #tpu.memory_space<hbm>>, %arg8: memref<16384xf32, #tpu.memory_space<hbm>>, %arg9: memref<4096xf32, #tpu.memory_space<vmem>>, %arg10: memref<4096xf32, #tpu.memory_space<vmem>>, %arg11: memref<4096xf32, #tpu.memory_space<vmem>>, %arg12: memref<2048xf32, #tpu.memory_space<vmem>>, %arg13: memref<1024xi32, #tpu.memory_space<vmem>>, %arg14: memref<16xi32, #tpu.memory_space<vmem>>, %arg15: memref<4096xf32, #tpu.memory_space<vmem>>, %arg16: memref<512xf32, #tpu.memory_space<vmem>>, %arg17: memref<512xf32, #tpu.memory_space<vmem>>, %arg18: memref<512xf32, #tpu.memory_space<vmem>>, %arg19: memref<512xf32, #tpu.memory_space<vmem>>, %arg20: memref<512xi32, #tpu.memory_space<vmem>>, %arg21: memref<256x128xf32, #tpu.memory_space<vmem>>, %arg22: memref<2xi32, #tpu.memory_space<smem>>, %arg23: memref<2xi32, #tpu.memory_space<smem>>, %arg24: memref<!tpu.dma_semaphore, #tpu.memory_space<semaphore_mem>>) attributes {dimension_semantics = [#tpu.dimension_semantics<core_parallel>, #tpu.dimension_semantics<subcore_parallel>], iteration_bounds = array<i64: 2, 16>, scalar_prefetch = 0 : i64, scratch_operands = 16 : i64, tpu.core_type = #tpu.core_type<sc_vector_subcore>, window_params = [{transform_indices = #map}, {transform_indices = #map1}, {transform_indices = #map}, {transform_indices = #map}, {transform_indices = #map}, {transform_indices = #map1}, {transform_indices = #map}]} {
    %mul3A = arith.constant 8 : i32
    %mul3A_0 = arith.muli %arg0, %mul3A : i32
    %jit3A = arith.constant 2 : i32
    %div3A = arith.divsi %arg1, %jit3A : i32
    %sign3A = arith.constant 0 : i32
    %sign3A_1 = arith.cmpi sgt, %arg1, %sign3A : i32
    %sign3A_2 = arith.extui %sign3A_1 : i1 to i32
    %sign3A_3 = arith.constant 0 : i32
    %sign3A_4 = arith.cmpi slt, %arg1, %sign3A_3 : i32
    %sign3A_5 = arith.extui %sign3A_4 : i1 to i32
    %sign3A_6 = arith.subi %sign3A_2, %sign3A_5 : i32
    %sign3A_7 = arith.constant 0 : i32
    %sign3A_8 = arith.cmpi sgt, %jit3A, %sign3A_7 : i32
    %sign3A_9 = arith.extui %sign3A_8 : i1 to i32
    %sign3A_10 = arith.constant 0 : i32
    %sign3A_11 = arith.cmpi slt, %jit3A, %sign3A_10 : i32
    %sign3A_12 = arith.extui %sign3A_11 : i1 to i32
    %sign3A_13 = arith.subi %sign3A_9, %sign3A_12 : i32
    %ne3A = arith.cmpi ne, %sign3A_6, %sign3A_13 : i32
    %rem3A = arith.remsi %arg1, %jit3A : i32
    %ne3A_14 = arith.constant 0 : i32
    %ne3A_15 = arith.cmpi ne, %rem3A, %ne3A_14 : i32
    %and3A = arith.andi %ne3A, %ne3A_15 : i1
    %sub3A = arith.constant 1 : i32
    %sub3A_16 = arith.subi %div3A, %sub3A : i32
    %select_n3A = arith.select %and3A, %sub3A_16, %div3A : i32
    %add3A = arith.addi %mul3A_0, %select_n3A : i32
    %jit3A_17 = arith.constant 2 : i32
    %eq3A = arith.constant 0 : i32
    %eq3A_18 = arith.cmpi eq, %jit3A_17, %eq3A : i32
    %jit3A_19 = arith.constant 1 : i32
    %select_n3A_20 = arith.select %eq3A_18, %jit3A_19, %jit3A_17 : i32
    %rem3A_21 = arith.remsi %arg1, %select_n3A_20 : i32
    %ne3A_22 = arith.constant 0 : i32
    %ne3A_23 = arith.cmpi ne, %rem3A_21, %ne3A_22 : i32
    %lt3A = arith.constant 0 : i32
    %lt3A_24 = arith.cmpi slt, %rem3A_21, %lt3A : i32
    %lt3A_25 = arith.constant 0 : i32
    %lt3A_26 = arith.cmpi slt, %select_n3A_20, %lt3A_25 : i32
    %ne3A_27 = arith.xori %lt3A_24, %lt3A_26 : i1
    %and3A_28 = arith.andi %ne3A_27, %ne3A_23 : i1
    %add3A_29 = arith.addi %rem3A_21, %select_n3A_20 : i32
    %select_n3A_30 = arith.select %and3A_28, %add3A_29, %rem3A_21 : i32
    %mul3A_31 = arith.constant 2048 : i32
    %mul3A_32 = arith.muli %select_n3A_30, %mul3A_31 : i32
    %xor3A = arith.constant 1 : i32
    %xor3A_33 = arith.xori %arg1, %xor3A : i32
    %mul3A_34 = arith.constant 3 : i32
    %mul3A_35 = arith.muli %add3A, %mul3A_34 : i32
    %mul3A_36 = arith.constant 4096 : i32
    %mul3A_37 = arith.muli %mul3A_35, %mul3A_36 : i32
    "tpu.region"() ({
      %run_scoped3A = tpu.sem_alloc : memref<!tpu.dma_semaphore, #tpu.memory_space<semaphore_mem>>
      %dma_start3A = tpu.memref_slice %arg2[%mul3A_37] : memref<196608xf32, #tpu.memory_space<hbm>> -> memref<4096xf32, #tpu.memory_space<hbm>>
      %dma_start3A_132 = tpu.memref_slice %arg2[%mul3A_37] : memref<196608xf32, #tpu.memory_space<hbm>> -> memref<4096xf32, #tpu.memory_space<hbm>>
      tpu.enqueue_dma source(%dma_start3A_132 : memref<4096xf32, #tpu.memory_space<hbm>>) target(%arg9 : memref<4096xf32, #tpu.memory_space<vmem>>) target_semaphore(%run_scoped3A : memref<!tpu.dma_semaphore, #tpu.memory_space<semaphore_mem>>)
      %dma_wait3A = tpu.memref_slice %arg2[%mul3A_37] : memref<196608xf32, #tpu.memory_space<hbm>> -> memref<4096xf32, #tpu.memory_space<hbm>>
      %dma_wait3A_133 = tpu.memref_slice %arg2[%mul3A_37] : memref<196608xf32, #tpu.memory_space<hbm>> -> memref<4096xf32, #tpu.memory_space<hbm>>
      tpu.wait_dma2 semaphore(%run_scoped3A : memref<!tpu.dma_semaphore, #tpu.memory_space<semaphore_mem>>) src(%dma_wait3A_133 : memref<4096xf32, #tpu.memory_space<hbm>>) dst(%arg9 : memref<4096xf32, #tpu.memory_space<vmem>>)
      tpu.yield
    }) : () -> ()
    %mul3A_38 = arith.constant 3 : i32
    %mul3A_39 = arith.muli %add3A, %mul3A_38 : i32
    %add3A_40 = arith.constant 1 : i32
    %add3A_41 = arith.addi %mul3A_39, %add3A_40 : i32
    %mul3A_42 = arith.constant 4096 : i32
    %mul3A_43 = arith.muli %add3A_41, %mul3A_42 : i32
    "tpu.region"() ({
      %run_scoped3A = tpu.sem_alloc : memref<!tpu.dma_semaphore, #tpu.memory_space<semaphore_mem>>
      %dma_start3A = tpu.memref_slice %arg2[%mul3A_43] : memref<196608xf32, #tpu.memory_space<hbm>> -> memref<4096xf32, #tpu.memory_space<hbm>>
      %dma_start3A_132 = tpu.memref_slice %arg2[%mul3A_43] : memref<196608xf32, #tpu.memory_space<hbm>> -> memref<4096xf32, #tpu.memory_space<hbm>>
      tpu.enqueue_dma source(%dma_start3A_132 : memref<4096xf32, #tpu.memory_space<hbm>>) target(%arg10 : memref<4096xf32, #tpu.memory_space<vmem>>) target_semaphore(%run_scoped3A : memref<!tpu.dma_semaphore, #tpu.memory_space<semaphore_mem>>)
      %dma_wait3A = tpu.memref_slice %arg2[%mul3A_43] : memref<196608xf32, #tpu.memory_space<hbm>> -> memref<4096xf32, #tpu.memory_space<hbm>>
      %dma_wait3A_133 = tpu.memref_slice %arg2[%mul3A_43] : memref<196608xf32, #tpu.memory_space<hbm>> -> memref<4096xf32, #tpu.memory_space<hbm>>
      tpu.wait_dma2 semaphore(%run_scoped3A : memref<!tpu.dma_semaphore, #tpu.memory_space<semaphore_mem>>) src(%dma_wait3A_133 : memref<4096xf32, #tpu.memory_space<hbm>>) dst(%arg10 : memref<4096xf32, #tpu.memory_space<vmem>>)
      tpu.yield
    }) : () -> ()
    %mul3A_44 = arith.constant 3 : i32
    %mul3A_45 = arith.muli %add3A, %mul3A_44 : i32
    %add3A_46 = arith.constant 2 : i32
    %add3A_47 = arith.addi %mul3A_45, %add3A_46 : i32
    %mul3A_48 = arith.constant 4096 : i32
    %mul3A_49 = arith.muli %add3A_47, %mul3A_48 : i32
    "tpu.region"() ({
      %run_scoped3A = tpu.sem_alloc : memref<!tpu.dma_semaphore, #tpu.memory_space<semaphore_mem>>
      %dma_start3A = tpu.memref_slice %arg2[%mul3A_49] : memref<196608xf32, #tpu.memory_space<hbm>> -> memref<4096xf32, #tpu.memory_space<hbm>>
      %dma_start3A_132 = tpu.memref_slice %arg2[%mul3A_49] : memref<196608xf32, #tpu.memory_space<hbm>> -> memref<4096xf32, #tpu.memory_space<hbm>>
      tpu.enqueue_dma source(%dma_start3A_132 : memref<4096xf32, #tpu.memory_space<hbm>>) target(%arg11 : memref<4096xf32, #tpu.memory_space<vmem>>) target_semaphore(%run_scoped3A : memref<!tpu.dma_semaphore, #tpu.memory_space<semaphore_mem>>)
      %dma_wait3A = tpu.memref_slice %arg2[%mul3A_49] : memref<196608xf32, #tpu.memory_space<hbm>> -> memref<4096xf32, #tpu.memory_space<hbm>>
      %dma_wait3A_133 = tpu.memref_slice %arg2[%mul3A_49] : memref<196608xf32, #tpu.memory_space<hbm>> -> memref<4096xf32, #tpu.memory_space<hbm>>
      tpu.wait_dma2 semaphore(%run_scoped3A : memref<!tpu.dma_semaphore, #tpu.memory_space<semaphore_mem>>) src(%dma_wait3A_133 : memref<4096xf32, #tpu.memory_space<hbm>>) dst(%arg11 : memref<4096xf32, #tpu.memory_space<vmem>>)
      tpu.yield
    }) : () -> ()
    %mul3A_50 = arith.constant 4096 : i32
    %mul3A_51 = arith.muli %add3A, %mul3A_50 : i32
    "tpu.region"() ({
      %run_scoped3A = tpu.sem_alloc : memref<!tpu.dma_semaphore, #tpu.memory_space<semaphore_mem>>
      %dma_start3A = tpu.memref_slice %arg4[%mul3A_51] : memref<65536xf32, #tpu.memory_space<hbm>> -> memref<4096xf32, #tpu.memory_space<hbm>>
      %dma_start3A_132 = tpu.memref_slice %arg4[%mul3A_51] : memref<65536xf32, #tpu.memory_space<hbm>> -> memref<4096xf32, #tpu.memory_space<hbm>>
      tpu.enqueue_dma source(%dma_start3A_132 : memref<4096xf32, #tpu.memory_space<hbm>>) target(%arg15 : memref<4096xf32, #tpu.memory_space<vmem>>) target_semaphore(%run_scoped3A : memref<!tpu.dma_semaphore, #tpu.memory_space<semaphore_mem>>)
      %dma_wait3A = tpu.memref_slice %arg4[%mul3A_51] : memref<65536xf32, #tpu.memory_space<hbm>> -> memref<4096xf32, #tpu.memory_space<hbm>>
      %dma_wait3A_133 = tpu.memref_slice %arg4[%mul3A_51] : memref<65536xf32, #tpu.memory_space<hbm>> -> memref<4096xf32, #tpu.memory_space<hbm>>
      tpu.wait_dma2 semaphore(%run_scoped3A : memref<!tpu.dma_semaphore, #tpu.memory_space<semaphore_mem>>) src(%dma_wait3A_133 : memref<4096xf32, #tpu.memory_space<hbm>>) dst(%arg15 : memref<4096xf32, #tpu.memory_space<vmem>>)
      tpu.yield
    }) : () -> ()
    "tpu.region"() ({
      %run_scoped3A = tpu.sem_alloc : memref<!tpu.dma_semaphore, #tpu.memory_space<semaphore_mem>>
      tpu.enqueue_dma source(%arg5 : memref<16xi32, #tpu.memory_space<hbm>>) target(%arg14 : memref<16xi32, #tpu.memory_space<vmem>>) target_semaphore(%run_scoped3A : memref<!tpu.dma_semaphore, #tpu.memory_space<semaphore_mem>>)
      tpu.wait_dma2 semaphore(%run_scoped3A : memref<!tpu.dma_semaphore, #tpu.memory_space<semaphore_mem>>) src(%arg5 : memref<16xi32, #tpu.memory_space<hbm>>) dst(%arg14 : memref<16xi32, #tpu.memory_space<vmem>>)
      tpu.yield
    }) : () -> ()
    %iota3A = tpu.iota {dimensions = array<i32: 0>} : vector<16xi32>
    %add3A_52 = vector.broadcast %mul3A_32 : i32 to vector<16xi32>
    %add3A_53 = arith.addi %iota3A, %add3A_52 : vector<16xi32>
    %broadcast_in_dim3A = arith.constant 1.000000e+08 : f32
    %broadcast_in_dim3A_54 = vector.broadcast %broadcast_in_dim3A : f32 to vector<16xf32>
    %parallel_loop3A = arith.constant 0 : i32
    %parallel_loop3A_55 = arith.constant 2048 : i32
    %parallel_loop3A_56 = arith.constant 16 : i32
    scf.for %parallel_loop3A_132 = %parallel_loop3A to %parallel_loop3A_55 step %parallel_loop3A_56  : i32 {
      %parallel_loop3A_133 = arith.index_cast %parallel_loop3A_132 : i32 to index
      %parallel_loop3A_134 = tpu.vector_load %arg12[%parallel_loop3A_133] {strides = array<i32>} : memref<2048xf32, #tpu.memory_space<vmem>>, vector<16xf32>,
      tpu.vector_store %arg12[%parallel_loop3A_133], %broadcast_in_dim3A_54 {strides = array<i32>} : memref<2048xf32, #tpu.memory_space<vmem>>, vector<16xf32>,
    } {sc.loop_unroll_factor = 4 : i64, sc.parallel_access}
    %broadcast_in_dim3A_57 = vector.broadcast %add3A : i32 to vector<16xi32>
    %gather3A = tpu.vector_load_idx %arg14[%broadcast_in_dim3A_57] : memref<16xi32, #tpu.memory_space<vmem>>[vector<16xi32>], vector<16xi32>,
    %reduce_max3A = arith.constant true
    %reduce_max3A_58 = vector.broadcast %reduce_max3A : i1 to vector<16xi1>
    %reduce_max3A_59 = arith.constant -2147483648 : i32
    %reduce_max3A_60 = vector.broadcast %reduce_max3A_59 : i32 to vector<16xi32>
    %reduce_max3A_61 = arith.xori %gather3A, %reduce_max3A_60 : vector<16xi32>
    %reduce_max3A_62 = tpu.scan <max>, %reduce_max3A_61 masked %reduce_max3A_58 : vector<16xi32>, vector<16xi1> -> vector<16xi32>
    %reduce_max3A_63 = arith.xori %reduce_max3A_62, %reduce_max3A_60 : vector<16xi32>
    %reduce_max3A_64 = vector.extract %reduce_max3A_63[15] : i32 from vector<16xi32>
    %swap3A = arith.constant 0 : i32
    %swap3A_65 = arith.constant 0 : i32
    %swap3A_66 = arith.index_cast %swap3A_65 : i32 to index
    %swap3A_67 = memref.load %arg22[%swap3A_66] : memref<2xi32, #tpu.memory_space<smem>>
    memref.store %swap3A, %arg22[%swap3A_66] : memref<2xi32, #tpu.memory_space<smem>>
    %swap3A_68 = arith.constant 0 : i32
    %swap3A_69 = arith.constant 1 : i32
    %swap3A_70 = arith.index_cast %swap3A_69 : i32 to index
    %swap3A_71 = memref.load %arg22[%swap3A_70] : memref<2xi32, #tpu.memory_space<smem>>
    memref.store %swap3A_68, %arg22[%swap3A_70] : memref<2xi32, #tpu.memory_space<smem>>
    %swap3A_72 = arith.constant 0 : i32
    %swap3A_73 = arith.constant 0 : i32
    %swap3A_74 = arith.index_cast %swap3A_73 : i32 to index
    %swap3A_75 = memref.load %arg23[%swap3A_74] : memref<2xi32, #tpu.memory_space<smem>>
    memref.store %swap3A_72, %arg23[%swap3A_74] : memref<2xi32, #tpu.memory_space<smem>>
    %swap3A_76 = arith.constant 0 : i32
    %swap3A_77 = arith.constant 1 : i32
    %swap3A_78 = arith.index_cast %swap3A_77 : i32 to index
    %swap3A_79 = memref.load %arg23[%swap3A_78] : memref<2xi32, #tpu.memory_space<smem>>
    memref.store %swap3A_76, %arg23[%swap3A_78] : memref<2xi32, #tpu.memory_space<smem>>
    %barrier3A = arith.constant 0 : index
    tpu.barrier barrier_id(%barrier3A)
    %broadcast_in_dim3A_80 = arith.constant -1.000000e+00 : f32
    %broadcast_in_dim3A_81 = vector.broadcast %broadcast_in_dim3A_80 : f32 to vector<16xf32>
    %broadcast_in_dim3A_82 = arith.constant 0 : i32
    %broadcast_in_dim3A_83 = vector.broadcast %broadcast_in_dim3A_82 : i32 to vector<16xi32>
    %scan3A = arith.constant 0 : i32
    %scan3A_84 = arith.constant 0 : i32
    %scan3A_85 = arith.constant 0 : i32
    %scan3A_86 = arith.constant 0 : i32
    %scan3A_87 = arith.constant 0 : i32
    %scan3A_88 = arith.constant 1024 : i32
    %scan3A_89 = arith.addi %scan3A_87, %scan3A_88 : i32
    %scan3A_90 = arith.constant 1 : i32
    %scan3A_91:5 = scf.for %scan3A_132 = %scan3A_87 to %scan3A_89 step %scan3A_90 iter_args(%scan3A_133 = %reduce_max3A_64, %scan3A_134 = %scan3A, %scan3A_135 = %scan3A_84, %scan3A_136 = %scan3A_85, %scan3A_137 = %scan3A_86) -> (i32, i32, i32, i32, i32)  : i32 {
      %broadcast_in_dim3A_138 = vector.broadcast %scan3A_133 : i32 to vector<16xi32>
      %broadcast_in_dim3A_139 = vector.broadcast %scan3A_132 : i32 to vector<16xi32>
      %eq3A_140 = arith.constant 0 : i32
      %eq3A_141 = vector.broadcast %eq3A_140 : i32 to vector<16xi32>
      %eq3A_142 = arith.cmpi eq, %iota3A, %eq3A_141 : vector<16xi32>
      tpu.vector_store_idx %arg13[%broadcast_in_dim3A_139], %broadcast_in_dim3A_138 masked %eq3A_142 : memref<1024xi32, #tpu.memory_space<vmem>>[vector<16xi32>], vector<16xi32>, vector<16xi1>
      %gather3A_143 = tpu.vector_load_idx %arg9[%broadcast_in_dim3A_138] : memref<4096xf32, #tpu.memory_space<vmem>>[vector<16xi32>], vector<16xf32>,
      %gather3A_144 = tpu.vector_load_idx %arg10[%broadcast_in_dim3A_138] : memref<4096xf32, #tpu.memory_space<vmem>>[vector<16xi32>], vector<16xf32>,
      %gather3A_145 = tpu.vector_load_idx %arg11[%broadcast_in_dim3A_138] : memref<4096xf32, #tpu.memory_space<vmem>>[vector<16xi32>], vector<16xf32>,
      %parallel_loop3A_146 = arith.constant 0 : i32
      %parallel_loop3A_147 = arith.constant 2048 : i32
      %parallel_loop3A_148 = arith.constant 16 : i32
      %parallel_loop3A_149:2 = scf.for %parallel_loop3A_203 = %parallel_loop3A_146 to %parallel_loop3A_147 step %parallel_loop3A_148 iter_args(%parallel_loop3A_204 = %broadcast_in_dim3A_81, %parallel_loop3A_205 = %broadcast_in_dim3A_83) -> (vector<16xf32>, vector<16xi32>)  : i32 {
        %parallel_loop3A_206 = arith.constant 0 : i32
        %parallel_loop3A_207 = arith.addi %parallel_loop3A_203, %parallel_loop3A_206 : i32
        %parallel_loop3A_208 = arith.addi %mul3A_32, %parallel_loop3A_207 : i32
        %parallel_loop3A_209 = arith.index_cast %parallel_loop3A_208 : i32 to index
        %parallel_loop3A_210 = tpu.vector_load %arg9[%parallel_loop3A_209] {strides = array<i32>} : memref<4096xf32, #tpu.memory_space<vmem>>, vector<16xf32>,
        %parallel_loop3A_211 = arith.subf %parallel_loop3A_210, %gather3A_143 : vector<16xf32>
        %parallel_loop3A_212 = arith.index_cast %parallel_loop3A_208 : i32 to index
        %parallel_loop3A_213 = tpu.vector_load %arg10[%parallel_loop3A_212] {strides = array<i32>} : memref<4096xf32, #tpu.memory_space<vmem>>, vector<16xf32>,
        %parallel_loop3A_214 = arith.subf %parallel_loop3A_213, %gather3A_144 : vector<16xf32>
        %parallel_loop3A_215 = arith.index_cast %parallel_loop3A_208 : i32 to index
        %parallel_loop3A_216 = tpu.vector_load %arg11[%parallel_loop3A_215] {strides = array<i32>} : memref<4096xf32, #tpu.memory_space<vmem>>, vector<16xf32>,
        %parallel_loop3A_217 = arith.subf %parallel_loop3A_216, %gather3A_145 : vector<16xf32>
        %parallel_loop3A_218 = arith.mulf %parallel_loop3A_211, %parallel_loop3A_211 : vector<16xf32>
        %parallel_loop3A_219 = arith.mulf %parallel_loop3A_217, %parallel_loop3A_217 : vector<16xf32>
        %parallel_loop3A_220 = arith.addf %parallel_loop3A_218, %parallel_loop3A_219 : vector<16xf32>
        %parallel_loop3A_221 = arith.mulf %parallel_loop3A_214, %parallel_loop3A_214 : vector<16xf32>
        %parallel_loop3A_222 = arith.addf %parallel_loop3A_220, %parallel_loop3A_221 : vector<16xf32>
        %parallel_loop3A_223 = arith.index_cast %parallel_loop3A_207 : i32 to index
        %parallel_loop3A_224 = tpu.vector_load %arg12[%parallel_loop3A_223] {strides = array<i32>} : memref<2048xf32, #tpu.memory_space<vmem>>, vector<16xf32>,
        %parallel_loop3A_225 = arith.minimumf %parallel_loop3A_222, %parallel_loop3A_224 : vector<16xf32>
        %parallel_loop3A_226 = arith.index_cast %parallel_loop3A_207 : i32 to index
        %parallel_loop3A_227 = tpu.vector_load %arg12[%parallel_loop3A_226] {strides = array<i32>} : memref<2048xf32, #tpu.memory_space<vmem>>, vector<16xf32>,
        tpu.vector_store %arg12[%parallel_loop3A_226], %parallel_loop3A_225 {strides = array<i32>} : memref<2048xf32, #tpu.memory_space<vmem>>, vector<16xf32>,
        %parallel_loop3A_228 = arith.cmpf ogt, %parallel_loop3A_225, %parallel_loop3A_204 : vector<16xf32>
        %parallel_loop3A_229 = arith.select %parallel_loop3A_228, %parallel_loop3A_225, %parallel_loop3A_204 : vector<16xi1>, vector<16xf32>
        %parallel_loop3A_230 = vector.broadcast %parallel_loop3A_207 : i32 to vector<16xi32>
        %parallel_loop3A_231 = arith.addi %add3A_53, %parallel_loop3A_230 : vector<16xi32>
        %parallel_loop3A_232 = arith.select %parallel_loop3A_228, %parallel_loop3A_231, %parallel_loop3A_205 : vector<16xi1>, vector<16xi32>
        scf.yield %parallel_loop3A_229, %parallel_loop3A_232 : vector<16xf32>, vector<16xi32>
      } {sc.loop_unroll_factor = 8 : i64, sc.parallel_access}
      %reduce_max3A_150 = arith.constant true
      %reduce_max3A_151 = vector.broadcast %reduce_max3A_150 : i1 to vector<16xi1>
      %reduce_max3A_152 = tpu.scan <max>, %parallel_loop3A_149#0 masked %reduce_max3A_151 : vector<16xf32>, vector<16xi1> -> vector<16xf32>
      %reduce_max3A_153 = vector.extract %reduce_max3A_152[15] : f32 from vector<16xf32>
      %broadcast_in_dim3A_154 = arith.constant 4096 : i32
      %broadcast_in_dim3A_155 = vector.broadcast %broadcast_in_dim3A_154 : i32 to vector<16xi32>
      %eq3A_156 = vector.broadcast %reduce_max3A_153 : f32 to vector<16xf32>
      %eq3A_157 = arith.cmpf oeq, %parallel_loop3A_149#0, %eq3A_156 : vector<16xf32>
      %jit3A_158 = arith.constant 4096 : i32
      %broadcast_in_dim3A_159 = vector.broadcast %jit3A_158 : i32 to vector<16xi32>
      %select_n3A_160 = arith.select %eq3A_157, %parallel_loop3A_149#1, %broadcast_in_dim3A_159 : vector<16xi1>, vector<16xi32>
      %min3A = arith.minsi %broadcast_in_dim3A_155, %select_n3A_160 : vector<16xi32>
      %reduce_min3A = arith.constant true
      %reduce_min3A_161 = vector.broadcast %reduce_min3A : i1 to vector<16xi1>
      %reduce_min3A_162 = arith.constant -2147483648 : i32
      %reduce_min3A_163 = vector.broadcast %reduce_min3A_162 : i32 to vector<16xi32>
      %reduce_min3A_164 = arith.xori %min3A, %reduce_min3A_163 : vector<16xi32>
      %reduce_min3A_165 = tpu.scan <min>, %reduce_min3A_164 masked %reduce_min3A_161 : vector<16xi32>, vector<16xi1> -> vector<16xi32>
      %reduce_min3A_166 = arith.xori %reduce_min3A_165, %reduce_min3A_163 : vector<16xi32>
      %reduce_min3A_167 = vector.extract %reduce_min3A_166[15] : i32 from vector<16xi32>
      %bitcast_convert_type3A = arith.bitcast %reduce_max3A_153 : f32 to i32
      %jit3A_168 = arith.constant 2 : i32
      %eq3A_169 = arith.constant 0 : i32
      %eq3A_170 = arith.cmpi eq, %jit3A_168, %eq3A_169 : i32
      %jit3A_171 = arith.constant 1 : i32
      %select_n3A_172 = arith.select %eq3A_170, %jit3A_171, %jit3A_168 : i32
      %rem3A_173 = arith.remsi %scan3A_132, %select_n3A_172 : i32
      %ne3A_174 = arith.constant 0 : i32
      %ne3A_175 = arith.cmpi ne, %rem3A_173, %ne3A_174 : i32
      %lt3A_176 = arith.constant 0 : i32
      %lt3A_177 = arith.cmpi slt, %rem3A_173, %lt3A_176 : i32
      %lt3A_178 = arith.constant 0 : i32
      %lt3A_179 = arith.cmpi slt, %select_n3A_172, %lt3A_178 : i32
      %ne3A_180 = arith.xori %lt3A_177, %lt3A_179 : i1
      %and3A_181 = arith.andi %ne3A_180, %ne3A_175 : i1
      %add3A_182 = arith.addi %rem3A_173, %select_n3A_172 : i32
      %select_n3A_183 = arith.select %and3A_181, %add3A_182, %rem3A_173 : i32
      %eq3A_184 = arith.constant 0 : i32
      %eq3A_185 = arith.cmpi eq, %select_n3A_183, %eq3A_184 : i32
      %select_n3A_186 = arith.select %eq3A_185, %scan3A_134, %scan3A_135 : i32
      %select_n3A_187 = arith.select %eq3A_185, %scan3A_136, %scan3A_137 : i32
      %sub3A_188 = arith.subi %bitcast_convert_type3A, %select_n3A_186 : i32
      %sc_fetch_and_add3A = tpu.fetch_and_add_sync %arg22[%select_n3A_183], %sub3A_188, %xor3A_33 : memref<2xi32, #tpu.memory_space<smem>>, i32 -> i32
      %sub3A_189 = arith.subi %reduce_min3A_167, %select_n3A_187 : i32
      %sc_fetch_and_add3A_190 = tpu.fetch_and_add_sync %arg23[%select_n3A_183], %sub3A_189, %xor3A_33 : memref<2xi32, #tpu.memory_space<smem>>, i32 -> i32
      %barrier3A_191 = arith.constant 0 : index
      tpu.barrier barrier_id(%barrier3A_191)
      %get3A = arith.index_cast %select_n3A_183 : i32 to index
      %get3A_192 = memref.load %arg22[%get3A] : memref<2xi32, #tpu.memory_space<smem>>
      %get3A_193 = arith.index_cast %select_n3A_183 : i32 to index
      %get3A_194 = memref.load %arg23[%get3A_193] : memref<2xi32, #tpu.memory_space<smem>>
      %gt3A = arith.cmpi sgt, %get3A_192, %bitcast_convert_type3A : i32
      %eq3A_195 = arith.cmpi eq, %get3A_192, %bitcast_convert_type3A : i32
      %lt3A_196 = arith.cmpi slt, %get3A_194, %reduce_min3A_167 : i32
      %and3A_197 = arith.andi %eq3A_195, %lt3A_196 : i1
      %or3A = arith.ori %gt3A, %and3A_197 : i1
      %select_n3A_198 = arith.select %or3A, %get3A_194, %reduce_min3A_167 : i32
      %select_n3A_199 = arith.select %eq3A_185, %bitcast_convert_type3A, %scan3A_134 : i32
      %select_n3A_200 = arith.select %eq3A_185, %scan3A_135, %bitcast_convert_type3A : i32
      %select_n3A_201 = arith.select %eq3A_185, %reduce_min3A_167, %scan3A_136 : i32
      %select_n3A_202 = arith.select %eq3A_185, %scan3A_137, %reduce_min3A_167 : i32
      scf.yield %select_n3A_198, %select_n3A_199, %select_n3A_200, %select_n3A_201, %select_n3A_202 : i32, i32, i32, i32, i32
    }
    %scan3A_92 = arith.constant 1024 : i32
    %parallel_loop3A_93 = arith.constant 0 : i32
    %parallel_loop3A_94 = arith.constant 512 : i32
    %parallel_loop3A_95 = arith.constant 16 : i32
    scf.for %parallel_loop3A_132 = %parallel_loop3A_93 to %parallel_loop3A_94 step %parallel_loop3A_95  : i32 {
      %parallel_loop3A_133 = arith.constant 512 : i32
      %parallel_loop3A_134 = arith.muli %select_n3A_30, %parallel_loop3A_133 : i32
      %parallel_loop3A_135 = arith.addi %parallel_loop3A_134, %parallel_loop3A_132 : i32
      %parallel_loop3A_136 = arith.index_cast %parallel_loop3A_135 : i32 to index
      %parallel_loop3A_137 = tpu.vector_load %arg13[%parallel_loop3A_136] {strides = array<i32>} : memref<1024xi32, #tpu.memory_space<vmem>>, vector<16xi32>,
      %parallel_loop3A_138 = tpu.vector_load_idx %arg9[%parallel_loop3A_137] : memref<4096xf32, #tpu.memory_space<vmem>>[vector<16xi32>], vector<16xf32>,
      %parallel_loop3A_139 = arith.index_cast %parallel_loop3A_132 : i32 to index
      %parallel_loop3A_140 = tpu.vector_load %arg17[%parallel_loop3A_139] {strides = array<i32>} : memref<512xf32, #tpu.memory_space<vmem>>, vector<16xf32>,
      tpu.vector_store %arg17[%parallel_loop3A_139], %parallel_loop3A_138 {strides = array<i32>} : memref<512xf32, #tpu.memory_space<vmem>>, vector<16xf32>,
      %parallel_loop3A_141 = tpu.vector_load_idx %arg10[%parallel_loop3A_137] : memref<4096xf32, #tpu.memory_space<vmem>>[vector<16xi32>], vector<16xf32>,
      %parallel_loop3A_142 = arith.index_cast %parallel_loop3A_132 : i32 to index
      %parallel_loop3A_143 = tpu.vector_load %arg18[%parallel_loop3A_142] {strides = array<i32>} : memref<512xf32, #tpu.memory_space<vmem>>, vector<16xf32>,
      tpu.vector_store %arg18[%parallel_loop3A_142], %parallel_loop3A_141 {strides = array<i32>} : memref<512xf32, #tpu.memory_space<vmem>>, vector<16xf32>,
      %parallel_loop3A_144 = tpu.vector_load_idx %arg11[%parallel_loop3A_137] : memref<4096xf32, #tpu.memory_space<vmem>>[vector<16xi32>], vector<16xf32>,
      %parallel_loop3A_145 = arith.index_cast %parallel_loop3A_132 : i32 to index
      %parallel_loop3A_146 = tpu.vector_load %arg19[%parallel_loop3A_145] {strides = array<i32>} : memref<512xf32, #tpu.memory_space<vmem>>, vector<16xf32>,
      tpu.vector_store %arg19[%parallel_loop3A_145], %parallel_loop3A_144 {strides = array<i32>} : memref<512xf32, #tpu.memory_space<vmem>>, vector<16xf32>,
      %parallel_loop3A_147 = tpu.vector_load_idx %arg15[%parallel_loop3A_137] : memref<4096xf32, #tpu.memory_space<vmem>>[vector<16xi32>], vector<16xf32>,
      %parallel_loop3A_148 = arith.index_cast %parallel_loop3A_132 : i32 to index
      %parallel_loop3A_149 = tpu.vector_load %arg16[%parallel_loop3A_148] {strides = array<i32>} : memref<512xf32, #tpu.memory_space<vmem>>, vector<16xf32>,
      tpu.vector_store %arg16[%parallel_loop3A_148], %parallel_loop3A_147 {strides = array<i32>} : memref<512xf32, #tpu.memory_space<vmem>>, vector<16xf32>,
      %parallel_loop3A_150 = arith.constant 4096 : i32
      %parallel_loop3A_151 = arith.muli %add3A, %parallel_loop3A_150 : i32
      %parallel_loop3A_152 = vector.broadcast %parallel_loop3A_151 : i32 to vector<16xi32>
      %parallel_loop3A_153 = arith.addi %parallel_loop3A_137, %parallel_loop3A_152 : vector<16xi32>
      %parallel_loop3A_154 = arith.index_cast %parallel_loop3A_132 : i32 to index
      %parallel_loop3A_155 = tpu.vector_load %arg20[%parallel_loop3A_154] {strides = array<i32>} : memref<512xi32, #tpu.memory_space<vmem>>, vector<16xi32>,
      tpu.vector_store %arg20[%parallel_loop3A_154], %parallel_loop3A_153 {strides = array<i32>} : memref<512xi32, #tpu.memory_space<vmem>>, vector<16xi32>,
    } {sc.loop_unroll_factor = 2 : i64, sc.parallel_access}
    %mul3A_96 = arith.constant 3 : i32
    %mul3A_97 = arith.muli %add3A, %mul3A_96 : i32
    %mul3A_98 = arith.constant 1024 : i32
    %mul3A_99 = arith.muli %mul3A_97, %mul3A_98 : i32
    %mul3A_100 = arith.constant 512 : i32
    %mul3A_101 = arith.muli %select_n3A_30, %mul3A_100 : i32
    %add3A_102 = arith.addi %mul3A_99, %mul3A_101 : i32
    "tpu.region"() ({
      %run_scoped3A = tpu.sem_alloc : memref<!tpu.dma_semaphore, #tpu.memory_space<semaphore_mem>>
      %dma_start3A = tpu.memref_slice %arg6[%add3A_102] : memref<49152xf32, #tpu.memory_space<hbm>> -> memref<512xf32, #tpu.memory_space<hbm>>
      %dma_start3A_132 = tpu.memref_slice %arg6[%add3A_102] : memref<49152xf32, #tpu.memory_space<hbm>> -> memref<512xf32, #tpu.memory_space<hbm>>
      tpu.enqueue_dma source(%arg17 : memref<512xf32, #tpu.memory_space<vmem>>) target(%dma_start3A_132 : memref<512xf32, #tpu.memory_space<hbm>>) target_semaphore(%run_scoped3A : memref<!tpu.dma_semaphore, #tpu.memory_space<semaphore_mem>>)
      %dma_wait3A = tpu.memref_slice %arg6[%add3A_102] : memref<49152xf32, #tpu.memory_space<hbm>> -> memref<512xf32, #tpu.memory_space<hbm>>
      %dma_wait3A_133 = tpu.memref_slice %arg6[%add3A_102] : memref<49152xf32, #tpu.memory_space<hbm>> -> memref<512xf32, #tpu.memory_space<hbm>>
      tpu.wait_dma2 semaphore(%run_scoped3A : memref<!tpu.dma_semaphore, #tpu.memory_space<semaphore_mem>>) src(%arg17 : memref<512xf32, #tpu.memory_space<vmem>>) dst(%dma_wait3A_133 : memref<512xf32, #tpu.memory_space<hbm>>)
      tpu.yield
    }) : () -> ()
    %mul3A_103 = arith.constant 3 : i32
    %mul3A_104 = arith.muli %add3A, %mul3A_103 : i32
    %add3A_105 = arith.constant 1 : i32
    %add3A_106 = arith.addi %mul3A_104, %add3A_105 : i32
    %mul3A_107 = arith.constant 1024 : i32
    %mul3A_108 = arith.muli %add3A_106, %mul3A_107 : i32
    %mul3A_109 = arith.constant 512 : i32
    %mul3A_110 = arith.muli %select_n3A_30, %mul3A_109 : i32
    %add3A_111 = arith.addi %mul3A_108, %mul3A_110 : i32
    "tpu.region"() ({
      %run_scoped3A = tpu.sem_alloc : memref<!tpu.dma_semaphore, #tpu.memory_space<semaphore_mem>>
      %dma_start3A = tpu.memref_slice %arg6[%add3A_111] : memref<49152xf32, #tpu.memory_space<hbm>> -> memref<512xf32, #tpu.memory_space<hbm>>
      %dma_start3A_132 = tpu.memref_slice %arg6[%add3A_111] : memref<49152xf32, #tpu.memory_space<hbm>> -> memref<512xf32, #tpu.memory_space<hbm>>
      tpu.enqueue_dma source(%arg18 : memref<512xf32, #tpu.memory_space<vmem>>) target(%dma_start3A_132 : memref<512xf32, #tpu.memory_space<hbm>>) target_semaphore(%run_scoped3A : memref<!tpu.dma_semaphore, #tpu.memory_space<semaphore_mem>>)
      %dma_wait3A = tpu.memref_slice %arg6[%add3A_111] : memref<49152xf32, #tpu.memory_space<hbm>> -> memref<512xf32, #tpu.memory_space<hbm>>
      %dma_wait3A_133 = tpu.memref_slice %arg6[%add3A_111] : memref<49152xf32, #tpu.memory_space<hbm>> -> memref<512xf32, #tpu.memory_space<hbm>>
      tpu.wait_dma2 semaphore(%run_scoped3A : memref<!tpu.dma_semaphore, #tpu.memory_space<semaphore_mem>>) src(%arg18 : memref<512xf32, #tpu.memory_space<vmem>>) dst(%dma_wait3A_133 : memref<512xf32, #tpu.memory_space<hbm>>)
      tpu.yield
    }) : () -> ()
    %mul3A_112 = arith.constant 3 : i32
    %mul3A_113 = arith.muli %add3A, %mul3A_112 : i32
    %add3A_114 = arith.constant 2 : i32
    %add3A_115 = arith.addi %mul3A_113, %add3A_114 : i32
    %mul3A_116 = arith.constant 1024 : i32
    %mul3A_117 = arith.muli %add3A_115, %mul3A_116 : i32
    %mul3A_118 = arith.constant 512 : i32
    %mul3A_119 = arith.muli %select_n3A_30, %mul3A_118 : i32
    %add3A_120 = arith.addi %mul3A_117, %mul3A_119 : i32
    "tpu.region"() ({
      %run_scoped3A = tpu.sem_alloc : memref<!tpu.dma_semaphore, #tpu.memory_space<semaphore_mem>>
      %dma_start3A = tpu.memref_slice %arg6[%add3A_120] : memref<49152xf32, #tpu.memory_space<hbm>> -> memref<512xf32, #tpu.memory_space<hbm>>
      %dma_start3A_132 = tpu.memref_slice %arg6[%add3A_120] : memref<49152xf32, #tpu.memory_space<hbm>> -> memref<512xf32, #tpu.memory_space<hbm>>
      tpu.enqueue_dma source(%arg19 : memref<512xf32, #tpu.memory_space<vmem>>) target(%dma_start3A_132 : memref<512xf32, #tpu.memory_space<hbm>>) target_semaphore(%run_scoped3A : memref<!tpu.dma_semaphore, #tpu.memory_space<semaphore_mem>>)
      %dma_wait3A = tpu.memref_slice %arg6[%add3A_120] : memref<49152xf32, #tpu.memory_space<hbm>> -> memref<512xf32, #tpu.memory_space<hbm>>
      %dma_wait3A_133 = tpu.memref_slice %arg6[%add3A_120] : memref<49152xf32, #tpu.memory_space<hbm>> -> memref<512xf32, #tpu.memory_space<hbm>>
      tpu.wait_dma2 semaphore(%run_scoped3A : memref<!tpu.dma_semaphore, #tpu.memory_space<semaphore_mem>>) src(%arg19 : memref<512xf32, #tpu.memory_space<vmem>>) dst(%dma_wait3A_133 : memref<512xf32, #tpu.memory_space<hbm>>)
      tpu.yield
    }) : () -> ()
    %mul3A_121 = arith.constant 1024 : i32
    %mul3A_122 = arith.muli %add3A, %mul3A_121 : i32
    %mul3A_123 = arith.constant 512 : i32
    %mul3A_124 = arith.muli %select_n3A_30, %mul3A_123 : i32
    %add3A_125 = arith.addi %mul3A_122, %mul3A_124 : i32
    "tpu.region"() ({
      %run_scoped3A = tpu.sem_alloc : memref<!tpu.dma_semaphore, #tpu.memory_space<semaphore_mem>>
      %dma_start3A = tpu.memref_slice %arg8[%add3A_125] : memref<16384xf32, #tpu.memory_space<hbm>> -> memref<512xf32, #tpu.memory_space<hbm>>
      %dma_start3A_132 = tpu.memref_slice %arg8[%add3A_125] : memref<16384xf32, #tpu.memory_space<hbm>> -> memref<512xf32, #tpu.memory_space<hbm>>
      tpu.enqueue_dma source(%arg16 : memref<512xf32, #tpu.memory_space<vmem>>) target(%dma_start3A_132 : memref<512xf32, #tpu.memory_space<hbm>>) target_semaphore(%run_scoped3A : memref<!tpu.dma_semaphore, #tpu.memory_space<semaphore_mem>>)
      %dma_wait3A = tpu.memref_slice %arg8[%add3A_125] : memref<16384xf32, #tpu.memory_space<hbm>> -> memref<512xf32, #tpu.memory_space<hbm>>
      %dma_wait3A_133 = tpu.memref_slice %arg8[%add3A_125] : memref<16384xf32, #tpu.memory_space<hbm>> -> memref<512xf32, #tpu.memory_space<hbm>>
      tpu.wait_dma2 semaphore(%run_scoped3A : memref<!tpu.dma_semaphore, #tpu.memory_space<semaphore_mem>>) src(%arg16 : memref<512xf32, #tpu.memory_space<vmem>>) dst(%dma_wait3A_133 : memref<512xf32, #tpu.memory_space<hbm>>)
      tpu.yield
    }) : () -> ()
    %scan3A_126 = arith.constant 0 : i32
    %scan3A_127 = arith.constant 0 : i32
    %scan3A_128 = arith.constant 2 : i32
    %scan3A_129 = arith.addi %scan3A_127, %scan3A_128 : i32
    %scan3A_130 = arith.constant 1 : i32
    scf.for %scan3A_132 = %scan3A_127 to %scan3A_129 step %scan3A_130  : i32 {
      %mul3A_133 = arith.constant 256 : i32
      %mul3A_134 = arith.muli %scan3A_132, %mul3A_133 : i32
      %dma_start3A = tpu.memref_slice %arg20[%mul3A_134] : memref<512xi32, #tpu.memory_space<vmem>> -> memref<256xi32, #tpu.memory_space<vmem>>
      %dma_start3A_135 = arith.constant 0 : i32
      %dma_start3A_136 = arith.constant 0 : i32
      %dma_start3A_137 = tpu.memref_slice %arg3[%dma_start3A_135, %dma_start3A_136] : memref<65536x128xf32, #tpu.memory_space<hbm>> -> memref<65536x128xf32, #tpu.memory_space<hbm>>
      tpu.enqueue_indirect_dma source(%dma_start3A_137 : memref<65536x128xf32, #tpu.memory_space<hbm>>) target(%arg21 : memref<256x128xf32, #tpu.memory_space<vmem>>) offsets(%dma_start3A : memref<256xi32, #tpu.memory_space<vmem>>) semaphore(%arg24 : memref<!tpu.dma_semaphore, #tpu.memory_space<semaphore_mem>>)
      %dma_wait3A = tpu.memref_slice %arg20[%mul3A_134] : memref<512xi32, #tpu.memory_space<vmem>> -> memref<256xi32, #tpu.memory_space<vmem>>
      %dma_wait3A_138 = arith.constant 0 : i32
      %dma_wait3A_139 = arith.constant 0 : i32
      %dma_wait3A_140 = tpu.memref_slice %arg3[%dma_wait3A_138, %dma_wait3A_139] : memref<65536x128xf32, #tpu.memory_space<hbm>> -> memref<65536x128xf32, #tpu.memory_space<hbm>>
      tpu.wait_indirect_dma semaphore(%arg24 : memref<!tpu.dma_semaphore, #tpu.memory_space<semaphore_mem>>) src(%dma_wait3A_140 : memref<65536x128xf32, #tpu.memory_space<hbm>>) dst(%arg21 : memref<256x128xf32, #tpu.memory_space<vmem>>)
      %mul3A_141 = arith.constant 1024 : i32
      %mul3A_142 = arith.muli %add3A, %mul3A_141 : i32
      %mul3A_143 = arith.constant 512 : i32
      %mul3A_144 = arith.muli %select_n3A_30, %mul3A_143 : i32
      %add3A_145 = arith.addi %mul3A_142, %mul3A_144 : i32
      %add3A_146 = arith.addi %add3A_145, %mul3A_134 : i32
      "tpu.region"() ({
        %run_scoped3A = tpu.sem_alloc : memref<!tpu.dma_semaphore, #tpu.memory_space<semaphore_mem>>
        %dma_start3A_147 = arith.constant 0 : i32
        %dma_start3A_148 = tpu.memref_slice %arg7[%add3A_146, %dma_start3A_147] : memref<16384x128xf32, #tpu.memory_space<hbm>> -> memref<256x128xf32, #tpu.memory_space<hbm>>
        %dma_start3A_149 = arith.constant 0 : i32
        %dma_start3A_150 = tpu.memref_slice %arg7[%add3A_146, %dma_start3A_149] : memref<16384x128xf32, #tpu.memory_space<hbm>> -> memref<256x128xf32, #tpu.memory_space<hbm>>
        tpu.enqueue_dma source(%arg21 : memref<256x128xf32, #tpu.memory_space<vmem>>) target(%dma_start3A_150 : memref<256x128xf32, #tpu.memory_space<hbm>>) target_semaphore(%run_scoped3A : memref<!tpu.dma_semaphore, #tpu.memory_space<semaphore_mem>>)
        %dma_wait3A_151 = arith.constant 0 : i32
        %dma_wait3A_152 = tpu.memref_slice %arg7[%add3A_146, %dma_wait3A_151] : memref<16384x128xf32, #tpu.memory_space<hbm>> -> memref<256x128xf32, #tpu.memory_space<hbm>>
        %dma_wait3A_153 = arith.constant 0 : i32
        %dma_wait3A_154 = tpu.memref_slice %arg7[%add3A_146, %dma_wait3A_153] : memref<16384x128xf32, #tpu.memory_space<hbm>> -> memref<256x128xf32, #tpu.memory_space<hbm>>
        tpu.wait_dma2 semaphore(%run_scoped3A : memref<!tpu.dma_semaphore, #tpu.memory_space<semaphore_mem>>) src(%arg21 : memref<256x128xf32, #tpu.memory_space<vmem>>) dst(%dma_wait3A_154 : memref<256x128xf32, #tpu.memory_space<hbm>>)
        tpu.yield
      }) : () -> ()
    }
    %scan3A_131 = arith.constant 2 : i32
    return
  }
}

</mosaic_0001>

<sc_bundles>
// kernel: kernel.3.cloned.1.call-start
scs
__scs_entry_jumppad:
0x0: {  	(pc) =	sbr.rel $0x88, $3  }
0x1: {  	(tag) =	ssettag $0x0;
	lr =	simm.s32 $0x1  }
0x2: {  	[smem:$0x3F9E] =	sst lr;
	_ =	strace $0xD0000000  }
0x3: {  	_ = 	snop  }
0x4: {  	_ = 	snop  }
0x5: {  	_ = 	snop  }
0x6: {  	_ = 	snop  }
0x7: {  	_ = 	snop  }
__scs_overlays_trampoline_lowered:
0x8: {  	[smem:$0x3FAD] =	sst s0  }
0x9: {  	[smem:$0x3FAE] =	sst s1  }
0xa: {  	[smem:$0x3FAF] =	sst s2  }
0xb: {  	[smem:$0x3FB0] =	sst s3  }
0xc: {  	[smem:$0x3FB1] =	sst s4  }
0xd: {  	[smem:$0x3FB2] =	sst s5  }
0xe: {  	[smem:$0x3FB3] =	sst s6  }
0xf: {  	[smem:$0x3FB4] =	sst s7  }
0x10: {  	[smem:$0x3FB5] =	sst s8  }
0x11: {  	[smem:$0x3FB6] =	sst s9;
	s0 =	simm.s32 @!p0 $0x0  }
0x12: {  	s1 =	sld [smem:$0x3F9C];
	s0 =	simm.s32 @p0 $0x1  }
0x13: {  	[smem:$0x3FB7] =	sst s0;
	s0 =	simm.s32 @!p1 $0x0  }
0x14: {  	s2 =	sld [smem:$0x3F9B];
	s0 =	simm.s32 @p1 $0x1  }
0x15: {  	[smem:$0x3FB8] =	sst s0;
	s0 =	simm.s32 @!p2 $0x0  }
0x16: {  	s3 =	sld [smem:$0x3FDB];
	s0 =	simm.s32 @p2 $0x1  }
0x17: {  	s4 =	simm.s32 $0x1BF5;
	[smem:$0x3FBA] =	sst s0  }
0x18: {  	s0 =	sld [smem:$0x3F9D];
	_ =	swait.ge [sflag:s4], $0x0  }
0x19: {  	s7 =	sld [smem:$0x3F9E]  }
0x1a: {  	s8 =	sadd.s32 $0xFFFFE003, lr  }
0x1b: {  	s9 =	sadd.s32 $0xFFFFFEF7, lr;
	s5 =	simm.s32 $0xFFFFFFFF;
	p2 =	slt.u32 s8, $0xFFFFF086  }
0x1c: {  	p1 =	slt.u32 s9, $0xF7A;
	s5 =	simm.s32 @!p2 $0x0  }
0x1d: {  	s5 =	simm.s32 @p1 $0x1;
	p0 =	seq.s32 s7, s2  }
0x1e: {  	s7 =	smul.u32 @!p0 $0xF7A, s2;
	p2 =	seq.s32 @!p0 s5, $0x0  }
0x1f: {  	s9 =	smul.u32 $0xF7A, s1;
	s8 =	simm.s32 @!p0 $0x1BF5;
	p2 =	por !p2, p0  }
0x20: {  	[sflag:s8] =	ssyncset.s32 @!p0 $0xFFFFF086;
	s6 =	sadd.s32 @!p0 s3, s7;
	s7 =	simm.s32 @!p0 $0x108  }
0x21: {  	s3 =	sadd.s32 s3, s9;
	s6 =	sadd.s32 @!p0 $0x88, s6;
	s7 =	simm.s32 @p2 $0x1082  }
0x22: {  	[simem:s7], [sflag:s8] =	dma.local @!p0 [hbm:s6], $0xF7A  }
0x23: {  	s9 =	sor.u32 $0xD0000000, s2;
	s6 =	simm.s32 $0x108;
	_ =	swait.ge @!p0 [sflag:s8], $0x0  }
0x24: {  	s3 =	sadd.s32 $0x88, s3;
	s6 =	simm.s32 @!p1 $0x1082;
	[sflag:s4] =	ssyncset.s32 $0xFFFFF086  }
0x25: {  	[simem:s6], [sflag:s4] =	dma.local [hbm:s3], $0xF7A  }
0x26: {  	[smem:$0x3F9E] =	sst s1;
	(tag) =	ssettag s2;
	_ =	strace s9  }
0x27: {  	s1 =	sld [smem:$0x3FAE]  }
0x28: {  	s2 =	sld [smem:$0x3FAF]  }
0x29: {  	s4 =	sld [smem:$0x3FB1]  }
0x2a: {  	p0 =	seq.s32 s5, $0x0;
	s5 =	sld [smem:$0x3FB2]  }
0x2b: {  	s6 =	sld [smem:$0x3FB3]  }
0x2c: {  	s7 =	sld [smem:$0x3FB4]  }
0x2d: {  	s3 =	simm.s32 $0x108;
	s8 =	sld [smem:$0x3FB5]  }
0x2e: {  	s3 =	simm.s32 @!p0 $0x1082;
	s9 =	sld [smem:$0x3FB6]  }
0x2f: {  	lr =	sadd.s32 s0, s3;
	s0 =	sld [smem:$0x3FAD]  }
0x30: {  	s3 =	sld [smem:$0x3FB0]  }
0x31: {  	[smem:$0x3FB9] =	sst s10  }
0x32: {  	s10 =	sld [smem:$0x3FB7];
	_ =	sdelay $0x3  }
0x33: {  	p0 =	seq.s32 s10, $0x1;
	s10 =	sld [smem:$0x3FB9];
	_ =	sdelay $0x3  }
0x34: {  	[smem:$0x3FB9] =	sst s10  }
0x35: {  	s10 =	sld [smem:$0x3FB8];
	_ =	sdelay $0x3  }
0x36: {  	p1 =	seq.s32 s10, $0x1;
	s10 =	sld [smem:$0x3FB9];
	_ =	sdelay $0x3  }
0x37: {  	[smem:$0x3FB9] =	sst s10  }
0x38: {  	s10 =	sld [smem:$0x3FBA]  }
0x39: {  	_ = 	snop;
	(pc) =	sbr.ind lr, $3  }
0x3a: {  	_ = 	snop  }
0x3b: {  	_ = 	snop  }
0x3c: {  	p2 =	seq.s32 s10, $0x1;
	s10 =	sld [smem:$0x3FB9]  }
0x3d: {  	_ =	shalt  }
0x3e: {  	_ =	shalt  }
0x3f: {  	_ =	shalt  }
0x40: {  	_ =	shalt  }
0x41: {  	_ =	shalt  }
0x42: {  	_ =	shalt  }
0x43: {  	_ =	shalt  }
0x44: {  	_ =	shalt  }
0x45: {  	_ =	shalt  }
0x46: {  	_ =	shalt  }
0x47: {  	_ =	shalt  }
0x48: {  	_ =	shalt  }
0x49: {  	_ =	shalt  }
0x4a: {  	_ =	shalt  }
0x4b: {  	_ =	shalt  }
0x4c: {  	_ =	shalt  }
0x4d: {  	_ =	shalt  }
0x4e: {  	_ =	shalt  }
0x4f: {  	_ =	shalt  }
0x50: {  	_ =	shalt  }
0x51: {  	_ =	shalt  }
0x52: {  	_ =	shalt  }
0x53: {  	_ =	shalt  }
0x54: {  	_ =	shalt  }
0x55: {  	_ =	shalt  }
0x56: {  	_ =	shalt  }
0x57: {  	_ =	shalt  }
0x58: {  	_ =	shalt  }
0x59: {  	_ =	shalt  }
0x5a: {  	_ =	shalt  }
0x5b: {  	_ =	shalt  }
0x5c: {  	_ =	shalt  }
0x5d: {  	_ =	shalt  }
0x5e: {  	_ =	shalt  }
0x5f: {  	_ =	shalt  }
0x60: {  	_ =	shalt  }
0x61: {  	_ =	shalt  }
0x62: {  	_ =	shalt  }
0x63: {  	_ =	shalt  }
0x64: {  	_ =	shalt  }
0x65: {  	_ =	shalt  }
0x66: {  	_ =	shalt  }
0x67: {  	_ =	shalt  }
0x68: {  	_ =	shalt  }
0x69: {  	_ =	shalt  }
0x6a: {  	_ =	shalt  }
0x6b: {  	_ =	shalt  }
0x6c: {  	_ =	shalt  }
0x6d: {  	_ =	shalt  }
0x6e: {  	_ =	shalt  }
0x6f: {  	_ =	shalt  }
0x70: {  	_ =	shalt  }
0x71: {  	_ =	shalt  }
0x72: {  	_ =	shalt  }
0x73: {  	_ =	shalt  }
0x74: {  	_ =	shalt  }
0x75: {  	_ =	shalt  }
0x76: {  	_ =	shalt  }
0x77: {  	_ =	shalt  }
0x78: {  	_ =	shalt  }
0x79: {  	_ =	shalt  }
0x7a: {  	_ =	shalt  }
0x7b: {  	_ =	shalt  }
0x7c: {  	_ =	shalt  }
0x7d: {  	_ =	shalt  }
0x7e: {  	_ =	shalt  }
0x7f: {  	_ =	shalt  }
0x80: {  	_ =	shalt  }
0x81: {  	_ =	shalt  }
0x82: {  	_ =	shalt  }
0x83: {  	_ =	shalt  }
0x84: {  	_ =	shalt  }
0x85: {  	_ =	shalt  }
0x86: {  	_ =	shalt  }
0x87: {  	_ =	shalt  }
.Lfunc_end0:
.L_simem_size_0:
called_computation_lowered:
.L_overlay_start_0:
0x88: {  	s2 =	sld [smem:$0x3FD9]  }
0x89: {  	s3 =	sld [smem:$0x3FFE];
	_ =	sdelay $0x1  }
0x8a: {  	s1 =	srdreg.scid  }
0x8b: {  	s0 =	sand.u32 $0x1, s1  }
0x8c: {  	s14 =	sshll.u32 s0, $0xA;
	s2 =	sadd.s32 s3, s2  }
0x8d: {  	s2 =	sadd.s32 s2, s14  }
0x8e: {  	[smem:$0x3FC5] =	sst s2  }
0x8f: {  	_ = 	snop  }
0x90: {  	s2 =	sld [smem:$0x3FD0];
	_ =	sdelay $0x2  }
0x91: {  	s4 =	simm.s32 $0xA;
	s5 =	simm.s32 $0x10;
	s15 =	sld [smem:$0x3FC8]  }
0x92: {  	[smem:s5], [sflag:s4] =	dma.local [hbm:s2], $0x1  }
0x93: {  	_ =	swait.eq [sflag:s4], $0x1  }
0x94: {  	[sflag:s4] =	ssyncset.done $0x0  }
0x95: {  	s16 =	sld [smem:$0x10];
	[sflag:s4] =	ssyncadd.s32 $0xFFFFFFFF  }
0x96: {  	s17 =	sld [smem:$0x11];
	(tm) =	ssettm $0x1  }
0x97: {  	s18 =	sld [smem:$0x3FFB];
	_ =	sdelay $0x3  }
0x98: {  	_ =	strace s18  }
0x99: {  	s5 =	sld [smem:$0x3FFC];
	_ =	sdelay $0x3  }
0x9a: {  	_ =	strace s5  }
0x9b: {  	s5 =	sld [smem:$0x3FFD];
	_ =	sdelay $0x3  }
0x9c: {  	_ =	strace s5  }
0x9d: {  	_ =	strace $0x8FFFFFFF  }
0x9e: {  	s19 =	sld [smem:$0x3FDB];
	_ =	sdelay $0x1  }
0x9f: {  	s6 =	simm.s32 $_scs_section_size  }
0xa0: {  	s7 =	simm.s32 $_size__tile_overlayer_lowered;
	s8 =	simm.s32 $_tile_overlayer_lowered  }
0xa1: {  	s22 =	simm.s32 $0x1BFF;
	s21 =	sshll.u32 s8, $0x1;
	s5 =	sadd.s32 s6, s19  }
0xa2: {  	s9 =	simm.s32 $0x0;
	s20 =	sshll.u32 s7, $0x1;
	s7 =	sadd.s32 s21, s5  }
0xa3: {  	[timem:s9], [sflag:s22] =	dma.local [hbm:s7], s20  }
0xa4: {  	_ =	swait.ge [sflag:s22], s20  }
0xa5: {  	s6 =	ssub.s32 $0x0, s20;
	[sflag:s22] =	ssyncset.done $0x0  }
0xa6: {  	[sflag:s22] =	ssyncadd.s32 s6;
	_ =	sdelay $0x1  }
0xa7: {  	s23 =	simm.s32 $0x1B8B  }
0xa8: {  	_ =	swait.ge [sflag:s23], $0x1  }
0xa9: {  	[sflag:s23] =	ssyncset.done $0x0  }
0xaa: {  	s25 =	simm.s32 $0x1B8E;
	s24 =	sld [smem:$0x3FFE];
	[sflag:s23] =	ssyncadd.s32 $0xFFFFFFFF  }
0xab: {  	s26 =	simm.s32 $execute0_lowered;
	[smem:$0x3FD2] =	sst s25  }
0xac: {  	s7 =	sshll.u32 s26, $0x1;
	_ =	strace $0x80000046;
	[dreg:$0x1] =	wrdreg $0xFFFFFFFF  }
0xad: {  	s28 =	simm.s32 $_size_execute0_lowered;
	s5 =	sadd.s32 s5, s7;
	[dreg:$0x0] =	wrdreg $0x0  }
0xae: {  	s7 =	sshll.u32 s28, $0x1;
	[dreg:$0x2] =	wrdreg s5  }
0xaf: {  	[dreg:$0x3] =	wrdreg s7  }
0xb0: {  	[dreg:$0x4] =	wrdreg $0xC0  }
0xb1: {  	_ =	task [dreg:s9], $0x5FFFF  }
0xb2: {  	[dreg:$0x1] =	wrdreg $0xFFFFFFFF  }
0xb3: {  	[dreg:$0x0] =	wrdreg $0x60  }
0xb4: {  	[dreg:$0x2] =	wrdreg s24  }
0xb5: {  	[dreg:$0x3] =	wrdreg s15  }
0xb6: {  	[dreg:$0x4] =	wrdreg s16  }
0xb7: {  	[dreg:$0x5] =	wrdreg s17  }
0xb8: {  	[dreg:$0x6] =	wrdreg $0x9  }
0xb9: {  	_ =	task.clear_ibuf [dreg:s9], $0x7FFFF;
	_ =	strace $0x90000046  }
0xba: {  	s29 =	simm.s32 $0x9;
	_ =	strace $0x80000048  }
0xbb: {  	_ =	swait.ge [sflag:s29], $0x1  }
0xbc: {  	[sflag:s29] =	ssyncadd.s32 $0xFFFFFFFF  }
0xbd: {  	_ =	strace $0x90000048  }
0xbe: {  	_ =	sfence  }
0xbf: {  	s30 =	sld [smem:$0x0];
	_ =	sdelay $0x2  }
0xc0: {  	s31 =	sshll.u32 s1, $0xD;
	s1 =	sshrl.u32 s1, $0x2  }
0xc1: {  	s3 =	sand.u32 $0x4000, s31;
	s1 =	sadd.s32 s1, s30  }
0xc2: {  	s0 =	sor.u32 s3, s0;
	s1 =	sshll.u32 s1, $0x11  }
0xc3: {  	s0 =	sor.u32 s1, s0  }
0xc4: {  	s0 =	sadd.s32 $0x8F2B, s0  }
0xc5: {  	[sflag:s0] =	ssyncadd.remote.s32 $0x1  }
0xc6: {  	_ =	sfence.sel $0xFFFF  }
0xc7: {  	[dreg:$0x0] =	wrdreg $0xFFFFFFFF;
	(pc) =	sbr.abs _section_cstart, $3  }
0xc8: {  	[dreg:$0x1] =	wrdreg $0xFFFFFFFF  }
0xc9: {  	_ =	task.clear_ibuf [dreg:s9], $0x2FFFF;
	_ =	strace $0x9FFFFFFF  }
0xca: {  	(tm) =	ssettm $0x7FFFFFFF  }
0xcb: {  	_ =	shalt  }
tec
execute0_lowered:
.L_overlay_start_1:
0x0: {  	(tag) =	ssettag $0x1  }
0x1: {  	s1 =	rddreg [dreg:$0x0]  }
0x2: {  	s2 =	rddreg [dreg:$0x2]  }
0x3: {  	s4 =	rddreg [dreg:$0x3];
	s0 =	srdreg.scid;
	s3 =	simm.s32 $0x0  }
0x4: {  	s14 =	stileid.u32;
	s28 =	simm.s32 $0x3;
	s30 =	simm.s32 $0x5680  }
0x5: {  	s31 =	simm.s32 $0x1;
	s29 =	simm.s32 $0x0;
	s5 =	sand.u32 $0x1, s0  }
0x6: {  	[smem:$0x7FF] =	sst s3;
	s6 =	sshrl.u32 s14, $0x1;
	s20 =	sadd.s32 $0x2C00, s1  }
0x7: {  	s8 =	sand.u32 $0x1, s14;
	s11 =	sadd.s32 $0xA00, s1;
	s0 =	sshll.u32 s5, $0x3  }
0x8: {  	_ =	strace $0x80000047;
	s10 =	sshll.u32 s8, $0x9;
	[dreg:$0x5] =	wrdreg s11  }
0x9: {  	s5 =	ssub.s32 $0x2, s5;
	s8 =	sshll.u32 s8, $0xB;
	s0 =	sor.u32 s6, s0  }
0xa: {  	s12 =	sshrl.u32 s5, $0x1;
	s22 =	sshrl.u32 s8, $0x2;
	s17 =	sor.u32 $0x40, s8  }
0xb: {  	s18 =	sor.u32 $0x2040, s8;
	s19 =	sor.u32 $0x1040, s8;
	s13 =	smul.u32 $0x3, s0  }
0xc: {  	s7 =	sshll.u32 s0, $0x9;
	s9 =	sshll.u32 s0, $0xA;
	s23 =	smul.u32 $0x600, s0  }
0xd: {  	s5 =	ssub.s32 s5, s12;
	s12 =	sxor.u32 $0x1, s14;
	s15 =	smul.u32 $0xC00, s0  }
0xe: {  	s16 =	sshll.u32 s0, $0xC;
	s7 =	sadd.s32 s7, s1;
	s21 =	sor.u32 s10, s9  }
0xf: {  	s9 =	sshrl.u32 s21, $0x3;
	s24 =	sadd.s32 $0x1, s13;
	s13 =	sadd.s32 $0x2, s13  }
0x10: {  	s7 =	sadd.s32 $0xC00, s7;
	s11 =	sshll.u32 s21, $0x4;
	s21 =	simm.s32 $0x1000  }
0x11: {  	s1 =	sadd.s32 s9, s1;
	s9 =	sadd.s32 s20, s23;
	s25 =	sshll.u32 s24, $0x9  }
0x12: {  	s26 =	sshll.u32 s13, $0x9;
	[dreg:$0x9] =	wrdreg s7;
	s23 =	sor.u32 s10, s15  }
0x13: {  	s14 =	sshll.u32 s24, $0xA;
	s13 =	sshll.u32 s13, $0xA;
	[dreg:$0x6] =	wrdreg s9  }
0x14: {  	s9 =	sadd.s32 s20, s25;
	s6 =	sadd.s32 s20, s26;
	s7 =	sshrl.u32 s23, $0x3  }
0x15: {  	s24 =	sor.u32 s10, s14;
	s10 =	sor.u32 s10, s13;
	s13 =	sadd.s32 s4, s11  }
0x16: {  	s1 =	sadd.s32 $0x8C00, s1;
	s25 =	smax.u32 s5, $0x1;
	[dreg:$0x7] =	wrdreg s9  }
0x17: {  	s20 =	simm.s32 $0x2;
	s23 =	simm.s32 $0x2000;
	[dreg:$0x8] =	wrdreg s6  }
0x18: {  	s4 =	simm.s32 $0x3C00;
	s9 =	sor.u32 $0x3800, s22;
	[dreg:$0xd] =	wrdreg s1  }
0x19: {  	s7 =	sadd.s32 s2, s7;
	s10 =	sshrl.u32 s10, $0x3;
	[dreg:$0xe] =	wrdreg s25  }
0x1a: {  	s26 =	sadd.s32 $0x1000, s13;
	[dreg:$0xa] =	wrdreg s7;
	s7 =	sshrl.u32 s24, $0x3  }
0x1b: {  	s22 =	sshll.u32 s12, $0x10;
	[dreg:$0xf] =	wrdreg s26;
	s7 =	sadd.s32 s2, s7  }
0x1c: {  	v0 =	vlaneseq.u32;
	v3 =	vimm.f32 $1.000000000e+08;
	s24 =	simm.s32 $0x3C80;
	s2 =	sadd.s32 s2, s10;
	[dreg:$0xb] =	wrdreg s7  }
0x1d: {  	v0 =	vor.u32 s8, v0;
	v1 =	vmov s0;
	v2 =	vmov s16;
	s26 =	simm.s32 $0x3800;
	[dreg:$0xc] =	wrdreg s2;
	s2 =	simm.s32 $0x100  }
.LBB2_1:
0x1e: {  	s0 =	rddreg [dreg:$0x6]  }
0x1f: {  	[tilespmem:s3], [sflag:$0x2] =	stream.linear.gather [hbm4b:s0+s3], $0x1000, $0x38;
	[tilespmem:$0xD680] =	vst v63  }
0x20: {  	_ =	swait.ge [sflag:s20], $0x1000  }
0x21: {  	[sflag:s20] =	ssyncset.done $0x0  }
0x22: {  	s14 =	rddreg [dreg:$0x7];
	[sflag:s20] =	ssyncadd.s32 $0xFFFFF000  }
0x23: {  	[tilespmem:s21], [sflag:$0x2] =	stream.linear.gather [hbm4b:s14+s3], $0x1000, $0x38;
	[tilespmem:$0xD680] =	vst v63  }
0x24: {  	_ =	swait.ge [sflag:s20], $0x1000  }
0x25: {  	[sflag:s20] =	ssyncset.done $0x0  }
0x26: {  	s15 =	rddreg [dreg:$0x8];
	[sflag:s20] =	ssyncadd.s32 $0xFFFFF000  }
0x27: {  	[tilespmem:s23], [sflag:$0x2] =	stream.linear.gather [hbm4b:s15+s3], $0x1000, $0x38;
	[tilespmem:$0xD680] =	vst v63  }
0x28: {  	_ =	swait.ge [sflag:s20], $0x1000  }
0x29: {  	[sflag:s20] =	ssyncset.done $0x0  }
0x2a: {  	s16 =	rddreg [dreg:$0x9];
	[sflag:s20] =	ssyncadd.s32 $0xFFFFF000  }
0x2b: {  	[tilespmem:s24], [sflag:$0x2] =	stream.linear.gather [hbm4b:s16+s3], $0x1000, $0x38;
	[tilespmem:$0xD680] =	vst v63  }
0x2c: {  	_ =	swait.ge [sflag:s20], $0x1000  }
0x2d: {  	[sflag:s20] =	ssyncset.done $0x0  }
0x2e: {  	s25 =	rddreg [dreg:$0x5];
	[sflag:s20] =	ssyncadd.s32 $0xFFFFF000  }
0x2f: {  	[tilespmem:s4], [sflag:$0x2] =	stream.linear.gather [hbm4b:s25+s3], $0x80, $0x38;
	[tilespmem:$0xD680] =	vst v63  }
0x30: {  	_ =	swait.ge [sflag:s20], $0x80  }
0x31: {  	[sflag:s20] =	ssyncset.done $0x0  }
0x32: {  	s0 =	simm.s32 $0x3020;
	[sflag:s20] =	ssyncadd.s32 $0xFFFFFF80  }
0x33: {  	[tilespmem:s0+$0xFFFFFFE0] =	vst v3  }
0x34: {  	[tilespmem:s0+$0x10] =	vst v3  }
0x35: {  	s1 =	simm.s32 $0x0;
	[tilespmem:s0+$0x0] =	vst v3  }
.LBB2_2:
0x36: {  	s1 =	sadd.s32 $0x40, s1  }
0x37: {  	[tilespmem:s0+$0xFFFFFFF0] =	vst v3;
	s0 =	sadd.s32 $0x40, s0;
	p0 =	slt.u32 s1, $0x7C0  }
.Ltmp0:
0x38: {  	[tilespmem:s0+$0xFFFFFFE0] =	vst v3;
	(pc) =	sbr.rel @p0 .LBB2_2-.Ltmp0, $3  }
0x39: {  	_ =	sdelay $0x1  }
0x3a: {  	[tilespmem:s0+$0x10] =	vst v3  }
0x3b: {  	[tilespmem:s0+$0x0] =	vst v3  }
0x3c: {  	_ =	sdelay $0x2  }
0x3d: {  	[tilespmem:s0+$0xFFFFFFF0] =	vst v3  }
0x3e: {  	v4 =	vld.idx.msk [tilespmem:v1+s4+$0x0], $0xffff;
	_ =	sdelay $0x4  }
0x3f: {  	v4 =	vxor.u32 $0x80000000, v4  }
0x40: {  	(xrf0) =	vmax.scan.msk.u32 $0xffff, v4;
	_ =	sdelay $0x5  }
0x41: {  	v4, _, _ =	vpop (xrf0)  }
0x42: {  	(v2sf) =	vpush v4, $0xF;
	_ =	sdelay $0xa  }
0x43: {  	s0 =	simm.s32 $0x0  }
0x44: {  	[smem:$0x0] =	sst s0  }
0x45: {  	s7 =	simm.s32 $0x0;
	[smem:$0x1] =	sst s0  }
0x46: {  	s5 =	simm.s32 $0x0;
	s6 =	simm.s32 $0x0;
	[smem:$0x80] =	sst s0  }
0x47: {  	s4 =	simm.s32 $0x0;
	[smem:$0x81] =	sst s0;
	s1 =	spop (v2sf)  }
0x48: {  	s8 =	sxor.u32 $0x80000000, s1;
	[bflag:$0x0] =	sbarrier.arrive $0xFFFF;
	s1 =	simm.s32 $0x0  }
.LBB2_4:
0x49: {  	v4 =	vmov s6  }
0x4a: {  	v7 =	vmov s8;
	_ =	sdelay $0x3  }
0x4b: {  	[tilespmem:v4+s26+$0x0] =	vst.idx.msk $0x1, v7  }
0x4c: {  	v5 =	vld.idx.msk [tilespmem:v7+s0+$0x0], $0xffff  }
0x4d: {  	v6 =	vld.idx.msk [tilespmem:v7+s21+$0x0], $0xffff  }
0x4e: {  	v4 =	vld.idx.msk [tilespmem:v7+s23+$0x0], $0xffff  }
0x4f: {  	v7 =	vld [tilespmem:s19+$0x30]  }
0x50: {  	v8 =	vld [tilespmem:s19+$0x20]  }
0x51: {  	v9 =	vld [tilespmem:s17+$0x30]  }
0x52: {  	v10 =	vld [tilespmem:s18+$0x30]  }
0x53: {  	v11 =	vld [tilespmem:s19+$0x10]  }
0x54: {  	v12 =	vld [tilespmem:s17+$0x20]  }
0x55: {  	v13 =	vld [tilespmem:s18+$0x20]  }
0x56: {  	v14 =	vld [tilespmem:s19+$0x0]  }
0x57: {  	v15 =	vld [tilespmem:s17+$0x10]  }
0x58: {  	v16 =	vld [tilespmem:s18+$0x10]  }
0x59: {  	v17 =	vld [tilespmem:s19+$0xFFFFFFF0]  }
0x5a: {  	v18 =	vld [tilespmem:s17+$0x0]  }
0x5b: {  	v19 =	vld [tilespmem:s18+$0x0]  }
0x5c: {  	v20 =	vimm.f32 $-1.000000000e+00;
	v21 =	vld [tilespmem:s19+$0xFFFFFFE0];
	v8 =	vsub.f32 v8, v6;
	v7 =	vsub.f32 v7, v6  }
0x5d: {  	v22 =	vimm.s32 $0x0;
	v23 =	vld [tilespmem:s17+$0xFFFFFFF0];
	v9 =	vsub.f32 v9, v5;
	v11 =	vsub.f32 v11, v6  }
0x5e: {  	v24 =	vor.u32 s0, v0;
	s25 =	simm.s32 $0x40;
	v25 =	vld [tilespmem:s19+$0xFFFFFFD0];
	v10 =	vsub.f32 v10, v4;
	v12 =	vsub.f32 v12, v5  }
0x5f: {  	s10 =	simm.s32 $0x30;
	v27 =	vor.u32 s25, v0;
	v26 =	vld [tilespmem:s17+$0xFFFFFFE0];
	v13 =	vsub.f32 v13, v4;
	v14 =	vsub.f32 v14, v6  }
0x60: {  	s11 =	simm.s32 $0x20;
	v29 =	vor.u32 s10, v0;
	v28 =	vld [tilespmem:s19+$0xFFFFFFC0];
	v15 =	vsub.f32 v15, v5;
	v17 =	vsub.f32 v17, v6  }
0x61: {  	s12 =	simm.s32 $0x10;
	v31 =	vor.u32 s11, v0;
	v30 =	vld [tilespmem:s17+$0xFFFFFFC0];
	v16 =	vsub.f32 v16, v4;
	v18 =	vsub.f32 v18, v5  }
0x62: {  	v33 =	vor.u32 s12, v0;
	v32 =	vld [tilespmem:s18+$0xFFFFFFC0];
	v19 =	vsub.f32 v19, v4;
	v21 =	vsub.f32 v21, v6  }
0x63: {  	v36 =	vld [tilespmem:s18+$0xFFFFFFE0];
	v23 =	vsub.f32 v23, v5;
	v25 =	vsub.f32 v25, v6;
	v8 =	vmul.f32 v8, v8  }
0x64: {  	v37 =	vld [tilespmem:s18+$0xFFFFFFF0];
	v26 =	vsub.f32 v26, v5;
	v7 =	vmul.f32 v7, v7;
	v9 =	vmul.f32 v9, v9  }
0x65: {  	v34 =	vld [tilespmem:s17+$0xFFFFFFD0];
	v28 =	vsub.f32 v28, v6;
	v10 =	vmul.f32 v10, v10;
	v12 =	vmul.f32 v12, v12  }
0x66: {  	v35 =	vld [tilespmem:s18+$0xFFFFFFD0];
	v30 =	vsub.f32 v30, v5;
	v14 =	vmul.f32 v14, v14;
	v13 =	vmul.f32 v13, v13  }
0x67: {  	v32 =	vsub.f32 v32, v4;
	v15 =	vmul.f32 v15, v15;
	v16 =	vmul.f32 v16, v16  }
0x68: {  	s8 =	simm.s32 $0x3040;
	v36 =	vsub.f32 v36, v4;
	v17 =	vmul.f32 v17, v17;
	v30 =	vmul.f32 v30, v30  }
0x69: {  	v38 =	vld [tilespmem:s8+$0xFFFFFFC0];
	v37 =	vsub.f32 v37, v4;
	v32 =	vmul.f32 v32, v32;
	v18 =	vmul.f32 v18, v18  }
0x6a: {  	v53 =	vld [tilespmem:s8+$0x30];
	v34 =	vsub.f32 v34, v5;
	v26 =	vmul.f32 v26, v26;
	v36 =	vmul.f32 v36, v36  }
0x6b: {  	v39 =	vld [tilespmem:s8+$0xFFFFFFD0];
	v35 =	vsub.f32 v35, v4;
	v23 =	vmul.f32 v23, v23;
	v56 =	vmul.f32 v37, v37  }
0x6c: {  	v54 =	vld [tilespmem:s8+$0x20];
	v28 =	vmul.f32 v28, v28;
	v19 =	vmul.f32 v19, v19;
	v30 =	vadd.f32 v32, v30  }
0x6d: {  	v55 =	vld [tilespmem:s8+$0xFFFFFFE0];
	v51 =	vmul.f32 v34, v34;
	v26 =	vadd.f32 v36, v26;
	v23 =	vadd.f32 v56, v23  }
0x6e: {  	s11 =	sadd.s32 $0x80, s19;
	v57 =	vld [tilespmem:s8+$0x0];
	v52 =	vmul.f32 v35, v35;
	v18 =	vadd.f32 v19, v18;
	v15 =	vadd.f32 v16, v15  }
0x6f: {  	s12 =	sadd.s32 $0x80, s17;
	v58 =	vld [tilespmem:s11+$0x0];
	v21 =	vmul.f32 v21, v21;
	v12 =	vadd.f32 v13, v12;
	v9 =	vadd.f32 v10, v9  }
0x70: {  	v59 =	vld [tilespmem:s12+$0x10];
	v25 =	vmul.f32 v25, v25;
	v28 =	vadd.f32 v30, v28;
	v30 =	vadd.f32 v52, v51  }
0x71: {  	v11 =	vmul.f32 v11, v11;
	v21 =	vadd.f32 v26, v21;
	v26 =	vld [tilespmem:s8+$0xFFFFFFF0];
	v17 =	vadd.f32 v23, v17  }
0x72: {  	s25 =	sadd.s32 $0x80, s18;
	v62 =	vld [tilespmem:s12+$0x0];
	v14 =	vadd.f32 v18, v14;
	v28 =	vmin.f32 v28, v38;
	v25 =	vadd.f32 v30, v25  }
0x73: {  	v63 =	vld [tilespmem:s25+$0x0];
	v11 =	vadd.f32 v15, v11;
	v8 =	vadd.f32 v12, v8;
	vm0 =	vgt.f32 v28, v20  }
0x74: {  	v7 =	vadd.f32 v9, v7;
	v30 =	vld [tilespmem:s8+$0x10];
	v20 =	vsel vm0, v28, v20;
	v25 =	vmin.f32 v25, v39  }
0x75: {  	v19 =	vld [tilespmem:s11+$0x20];
	v23 =	vmin.f32 v21, v55;
	v32 =	vmin.f32 v8, v54;
	vm9 =	vgt.f32 v25, v20  }
0x76: {  	v22 =	vsel vm0, v24, v22;
	v17 =	vmin.f32 v17, v26;
	v26 =	vld [tilespmem:s11+$0x10];
	v20 =	vsel vm9, v25, v20  }
0x77: {  	v35 =	vmin.f32 v7, v53;
	[tilespmem:s8+$0xFFFFFFC0] =	vst v28;
	v21 =	vsel vm9, v33, v22;
	v22 =	vld [tilespmem:s12+$0x30];
	vm10 =	vgt.f32 v23, v20  }
0x78: {  	v61 =	vld [tilespmem:s11+$0xFFFFFFF0];
	v28 =	vsub.f32 v62, v5;
	[tilespmem:s8+$0xFFFFFFD0] =	vst v25;
	v25 =	vsub.f32 v59, v5;
	v18 =	vsel vm10, v23, v20  }
0x79: {  	v60 =	vld [tilespmem:s25+$0x10];
	v11 =	vmin.f32 v11, v30;
	v20 =	vsel vm10, v31, v21;
	vm11 =	vgt.f32 v17, v18  }
0x7a: {  	v40 =	vld [tilespmem:s12+$0xFFFFFFF0];
	v15 =	vsel vm11, v17, v18;
	v18 =	vmin.f32 v14, v57;
	v14 =	vsel vm11, v29, v20  }
0x7b: {  	v13 =	vld [tilespmem:s12+$0x20];
	[tilespmem:s8+$0xFFFFFFF0] =	vst v17;
	v20 =	vsub.f32 v19, v6;
	v17 =	vsub.f32 v63, v4;
	vm12 =	vgt.f32 v18, v15  }
0x7c: {  	v24 =	vld [tilespmem:s11+$0x30];
	v21 =	vsub.f32 v22, v5;
	v22 =	vsub.f32 v26, v6;
	v10 =	vsel vm12, v18, v15  }
0x7d: {  	s14 =	simm.s32 $0x50;
	v16 =	vld [tilespmem:s25+$0x30];
	v26 =	vsub.f32 v61, v6;
	v12 =	vsel vm12, v27, v14;
	vm13 =	vgt.f32 v11, v10  }
0x7e: {  	v31 =	vld [tilespmem:s25+$0x20];
	v14 =	vor.u32 s14, v0;
	s14 =	simm.s32 $0x70;
	v27 =	vsub.f32 v58, v6;
	v9 =	vsel vm13, v11, v10  }
0x7f: {  	s15 =	simm.s32 $0x60;
	v19 =	vld [tilespmem:s11+$0xFFFFFFE0];
	[tilespmem:s8+$0x0] =	vst v18;
	v18 =	vsub.f32 v60, v4;
	v15 =	vor.u32 s14, v0;
	vm14 =	vgt.f32 v32, v9  }
0x80: {  	v8 =	vsel vm13, v14, v12;
	v10 =	vor.u32 s15, v0;
	v9 =	vsel vm14, v32, v9  }
0x81: {  	[tilespmem:s8+$0xFFFFFFE0] =	vst v23;
	v29 =	vld [tilespmem:s11+$0xFFFFFFD0];
	s14 =	simm.s32 $0xA0;
	v14 =	vsub.f32 v24, v6;
	v24 =	vsub.f32 v13, v5;
	vm15 =	vgt.f32 v35, v9  }
0x82: {  	v30 =	vld [tilespmem:s12+$0xFFFFFFE0];
	[tilespmem:s8+$0x10] =	vst v11;
	v11 =	vor.u32 s14, v0;
	v7 =	vsel vm14, v10, v8;
	v12 =	vsel vm15, v35, v9  }
0x83: {  	s16 =	simm.s32 $0xC0;
	[tilespmem:s8+$0x20] =	vst v32;
	v9 =	vsel vm15, v15, v7;
	v15 =	vsub.f32 v16, v4;
	v16 =	vsub.f32 v31, v4;
	v31 =	vld [tilespmem:s11+$0xFFFFFFC0]  }
0x84: {  	s10 =	simm.s32 $0x80;
	[tilespmem:s8+$0x30] =	vst v35;
	s15 =	simm.s32 $0xB0;
	v23 =	vsub.f32 v19, v6;
	v19 =	vsub.f32 v40, v5;
	v32 =	vld [tilespmem:s12+$0xFFFFFFC0];
	v7 =	vor.u32 s16, v0;
	s16 =	simm.s32 $0x90  }
0x85: {  	v33 =	vld [tilespmem:s25+$0xFFFFFFC0];
	s14 =	simm.s32 $0x100;
	v10 =	vor.u32 s10, v0;
	v8 =	vor.u32 s15, v0;
	v13 =	vor.u32 s16, v0  }
.LBB2_5:
0x86: {  	p0 =	slt.u32 s14, $0x780;
	v34 =	vld [tilespmem:s12+$0xFFFFFFD0];
	v29 =	vsub.f32 v29, v6;
	v20 =	vmul.f32 v20, v20;
	v14 =	vmul.f32 v14, v14  }
0x87: {  	v21 =	vmul.f32 v21, v21;
	v15 =	vmul.f32 v15, v15;
	v35 =	vld [tilespmem:s25+$0xFFFFFFD0];
	v30 =	vsub.f32 v30, v5  }
0x88: {  	v22 =	vmul.f32 v22, v22;
	v24 =	vmul.f32 v24, v24;
	v31 =	vsub.f32 v31, v6;
	v36 =	vld [tilespmem:s25+$0xFFFFFFE0]  }
0x89: {  	v27 =	vmul.f32 v27, v27;
	v16 =	vmul.f32 v16, v16;
	v32 =	vsub.f32 v32, v5  }
0x8a: {  	v25 =	vmul.f32 v25, v25;
	v18 =	vmul.f32 v18, v18;
	v33 =	vsub.f32 v33, v4;
	v37 =	vld [tilespmem:s25+$0xFFFFFFF0]  }
0x8b: {  	v26 =	vmul.f32 v26, v26;
	v28 =	vmul.f32 v28, v28;
	v34 =	vsub.f32 v34, v5  }
0x8c: {  	s8 =	sadd.s32 $0x80, s8;
	v32 =	vmul.f32 v32, v32;
	v33 =	vmul.f32 v33, v33;
	v35 =	vsub.f32 v35, v4  }
0x8d: {  	v23 =	vmul.f32 v23, v23;
	v31 =	vmul.f32 v31, v31;
	v38 =	vld [tilespmem:s8+$0xFFFFFFC0];
	v36 =	vsub.f32 v36, v4  }
0x8e: {  	v32 =	vadd.f32 v33, v32;
	v33 =	vmul.f32 v34, v34;
	v34 =	vmul.f32 v35, v35;
	v35 =	vld [tilespmem:s8+$0x30]  }
0x8f: {  	v30 =	vmul.f32 v30, v30;
	v39 =	vld [tilespmem:s8+$0xFFFFFFD0];
	v36 =	vmul.f32 v36, v36;
	v37 =	vsub.f32 v37, v4  }
0x90: {  	v29 =	vmul.f32 v29, v29;
	v31 =	vadd.f32 v32, v31;
	v32 =	vadd.f32 v34, v33;
	v33 =	vld [tilespmem:s8+$0x20]  }
0x91: {  	v19 =	vmul.f32 v19, v19;
	v30 =	vadd.f32 v36, v30;
	v34 =	vld [tilespmem:s8+$0xFFFFFFE0];
	v36 =	vmul.f32 v37, v37  }
0x92: {  	v17 =	vmul.f32 v17, v17;
	v31 =	vmin.f32 v31, v38;
	v29 =	vadd.f32 v32, v29;
	v32 =	vld [tilespmem:s8+$0x10]  }
0x93: {  	[tilespmem:s8+$0xFFFFFFC0] =	vst v31;
	vm0 =	vgt.f32 v31, v12;
	v23 =	vadd.f32 v30, v23;
	v19 =	vadd.f32 v36, v19;
	v30 =	vld [tilespmem:s8+$0xFFFFFFF0]  }
0x94: {  	s11 =	sadd.s32 $0x80, s11;
	v12 =	vsel vm0, v31, v12;
	v9 =	vsel vm0, v10, v9;
	v10 =	vmin.f32 v29, v39;
	v29 =	vld [tilespmem:s8+$0x0]  }
0x95: {  	v17 =	vadd.f32 v17, v28;
	v31 =	vld [tilespmem:s11+$0x30];
	[tilespmem:s8+$0xFFFFFFD0] =	vst v10;
	vm0 =	vgt.f32 v10, v12;
	v19 =	vadd.f32 v19, v26  }
0x96: {  	s12 =	sadd.s32 $0x80, s12;
	v26 =	vld [tilespmem:s11+$0x20];
	v10 =	vsel vm0, v10, v12;
	v9 =	vsel vm0, v13, v9;
	v12 =	vmin.f32 v23, v34  }
0x97: {  	v18 =	vadd.f32 v18, v25;
	v17 =	vadd.f32 v17, v27;
	s25 =	sadd.s32 $0x80, s25;
	v13 =	vld [tilespmem:s12+$0x30];
	[tilespmem:s8+$0xFFFFFFE0] =	vst v12;
	vm0 =	vgt.f32 v12, v10  }
0x98: {  	v23 =	vld [tilespmem:s25+$0x30];
	v10 =	vsel vm0, v12, v10;
	v9 =	vsel vm0, v11, v9;
	v11 =	vmin.f32 v19, v30  }
0x99: {  	v16 =	vadd.f32 v16, v24;
	v12 =	vadd.f32 v18, v22;
	v19 =	vld [tilespmem:s11+$0x10];
	[tilespmem:s8+$0xFFFFFFF0] =	vst v11;
	vm0 =	vgt.f32 v11, v10  }
0x9a: {  	v18 =	vld [tilespmem:s12+$0x20];
	v10 =	vsel vm0, v11, v10;
	v8 =	vsel vm0, v8, v9;
	v9 =	vmin.f32 v17, v29  }
0x9b: {  	v15 =	vadd.f32 v15, v21;
	v16 =	vadd.f32 v16, v20;
	v11 =	vld [tilespmem:s25+$0x20];
	[tilespmem:s8+$0x0] =	vst v9;
	vm0 =	vgt.f32 v9, v10  }
0x9c: {  	s15 =	sadd.s32 $0x50, s10;
	v17 =	vld [tilespmem:s11+$0x0];
	v9 =	vsel vm0, v9, v10;
	v7 =	vsel vm0, v7, v8;
	v8 =	vmin.f32 v12, v32  }
0x9d: {  	v10 =	vor.u32 s15, v0;
	v12 =	vadd.f32 v15, v14;
	v25 =	vld [tilespmem:s12+$0x10];
	[tilespmem:s8+$0x10] =	vst v8;
	vm0 =	vgt.f32 v8, v9  }
0x9e: {  	s16 =	sadd.s32 $0x70, s10;
	s15 =	sadd.s32 $0x60, s10;
	s10 =	smov.u32 s14;
	v28 =	vld [tilespmem:s25+$0x10];
	v8 =	vsel vm0, v8, v9;
	v7 =	vsel vm0, v10, v7;
	v9 =	vmin.f32 v16, v33  }
0x9f: {  	v15 =	vor.u32 s16, v0;
	v10 =	vor.u32 s15, v0;
	v32 =	vld [tilespmem:s11+$0xFFFFFFF0];
	[tilespmem:s8+$0x20] =	vst v9;
	vm0 =	vgt.f32 v9, v8  }
0xa0: {  	v33 =	vld [tilespmem:s12+$0x0];
	v8 =	vsel vm0, v9, v8;
	v7 =	vsel vm0, v10, v7;
	v9 =	vmin.f32 v12, v35  }
0xa1: {  	v20 =	vsub.f32 v26, v6;
	v14 =	vsub.f32 v31, v6;
	v34 =	vld [tilespmem:s25+$0x0];
	[tilespmem:s8+$0x30] =	vst v9;
	vm0 =	vgt.f32 v9, v8  }
0xa2: {  	v21 =	vsub.f32 v13, v5;
	v35 =	vld [tilespmem:s11+$0xFFFFFFE0];
	v12 =	vsel vm0, v9, v8;
	v9 =	vsel vm0, v15, v7  }
0xa3: {  	v22 =	vsub.f32 v19, v6;
	v15 =	vsub.f32 v23, v4;
	v36 =	vld [tilespmem:s12+$0xFFFFFFF0]  }
.Ltmp1:
0xa4: {  	s15 =	sadd.s32 $0x40, s14;
	v24 =	vsub.f32 v18, v5;
	v10 =	vor.u32 s14, v0;
	v16 =	vsub.f32 v11, v4;
	v29 =	vld [tilespmem:s11+$0xFFFFFFD0];
	(pc) =	sbr.rel @p0 .LBB2_5-.Ltmp1, $4  }
0xa5: {  	s16 =	sadd.s32 $0x30, s14;
	v27 =	vsub.f32 v17, v6;
	v7 =	vor.u32 s15, v0;
	v25 =	vsub.f32 v25, v5;
	v30 =	vld [tilespmem:s12+$0xFFFFFFE0]  }
0xa6: {  	s15 =	sadd.s32 $0x20, s14;
	v8 =	vor.u32 s16, v0;
	v18 =	vsub.f32 v28, v4;
	v26 =	vsub.f32 v32, v6;
	v31 =	vld [tilespmem:s11+$0xFFFFFFC0]  }
0xa7: {  	s16 =	sadd.s32 $0x10, s14;
	v11 =	vor.u32 s15, v0;
	v28 =	vsub.f32 v33, v5;
	v17 =	vsub.f32 v34, v4;
	v32 =	vld [tilespmem:s12+$0xFFFFFFC0]  }
0xa8: {  	s14 =	sadd.s32 $0x80, s14;
	v13 =	vor.u32 s16, v0;
	v23 =	vsub.f32 v35, v6;
	v33 =	vld [tilespmem:s25+$0xFFFFFFC0];
	v19 =	vsub.f32 v36, v5  }
0xa9: {  	v34 =	vld [tilespmem:s12+$0xFFFFFFD0]  }
0xaa: {  	v35 =	vld [tilespmem:s25+$0xFFFFFFD0];
	v20 =	vmul.f32 v20, v20;
	v21 =	vmul.f32 v21, v21  }
0xab: {  	v29 =	vsub.f32 v29, v6;
	v36 =	vld [tilespmem:s25+$0xFFFFFFE0];
	v22 =	vmul.f32 v22, v22;
	v24 =	vmul.f32 v24, v24  }
0xac: {  	v27 =	vmul.f32 v27, v27;
	v25 =	vmul.f32 v25, v25;
	v30 =	vsub.f32 v30, v5  }
0xad: {  	v46 =	vld [tilespmem:s25+$0xFFFFFFF0];
	v26 =	vmul.f32 v26, v26;
	v44 =	vsub.f32 v32, v5;
	v45 =	vsub.f32 v33, v4  }
0xae: {  	v28 =	vmul.f32 v28, v28;
	v43 =	vsub.f32 v31, v6;
	v5 =	vsub.f32 v34, v5  }
0xaf: {  	s8 =	sadd.s32 $0x80, s8;
	v31 =	vmul.f32 v44, v44;
	v47 =	vsub.f32 v35, v4;
	v32 =	vmul.f32 v45, v45  }
0xb0: {  	v48 =	vld [tilespmem:s8+$0xFFFFFFC0];
	v23 =	vmul.f32 v23, v23;
	v6 =	vmul.f32 v43, v43;
	v36 =	vsub.f32 v36, v4  }
0xb1: {  	v5 =	vmul.f32 v5, v5;
	v49 =	vmul.f32 v47, v47;
	v31 =	vadd.f32 v32, v31  }
0xb2: {  	v50 =	vld [tilespmem:s8+$0xFFFFFFD0];
	v29 =	vmul.f32 v29, v29;
	v30 =	vmul.f32 v30, v30;
	v4 =	vsub.f32 v46, v4  }
0xb3: {  	v36 =	vmul.f32 v36, v36;
	v5 =	vadd.f32 v49, v5;
	v6 =	vadd.f32 v31, v6  }
0xb4: {  	v51 =	vld [tilespmem:s8+$0xFFFFFFE0];
	v19 =	vmul.f32 v19, v19;
	v4 =	vmul.f32 v4, v4  }
0xb5: {  	v30 =	vadd.f32 v36, v30;
	v5 =	vadd.f32 v5, v29;
	v6 =	vmin.f32 v6, v48  }
0xb6: {  	v17 =	vmul.f32 v17, v17;
	v52 =	vld [tilespmem:s8+$0xFFFFFFF0];
	v4 =	vadd.f32 v4, v19;
	vm0 =	vgt.f32 v6, v12  }
0xb7: {  	v23 =	vadd.f32 v30, v23;
	v5 =	vmin.f32 v5, v50;
	v12 =	vsel vm0, v6, v12  }
0xb8: {  	v18 =	vmul.f32 v18, v18;
	v53 =	vld [tilespmem:s8+$0x0];
	v17 =	vadd.f32 v17, v28;
	vm1 =	vgt.f32 v5, v12  }
0xb9: {  	v4 =	vadd.f32 v4, v26;
	v23 =	vmin.f32 v23, v51;
	v12 =	vsel vm1, v5, v12  }
0xba: {  	v16 =	vmul.f32 v16, v16;
	v54 =	vld [tilespmem:s8+$0x10];
	v18 =	vadd.f32 v18, v25;
	vm2 =	vgt.f32 v23, v12  }
0xbb: {  	v17 =	vadd.f32 v17, v27;
	v4 =	vmin.f32 v4, v52;
	v12 =	vsel vm2, v23, v12  }
0xbc: {  	v15 =	vmul.f32 v15, v15;
	v55 =	vld [tilespmem:s8+$0x20];
	v16 =	vadd.f32 v16, v24;
	vm3 =	vgt.f32 v4, v12  }
0xbd: {  	v18 =	vadd.f32 v18, v22;
	v17 =	vmin.f32 v17, v53;
	v12 =	vsel vm3, v4, v12  }
0xbe: {  	v14 =	vmul.f32 v14, v14;
	v56 =	vld [tilespmem:s8+$0x30];
	v15 =	vadd.f32 v15, v21;
	vm4 =	vgt.f32 v17, v12  }
0xbf: {  	v16 =	vadd.f32 v16, v20;
	v18 =	vmin.f32 v18, v54;
	v12 =	vsel vm4, v17, v12  }
0xc0: {  	vm5 =	vgt.f32 v18, v12  }
0xc1: {  	v14 =	vadd.f32 v15, v14;
	v57 =	vmin.f32 v16, v55;
	v12 =	vsel vm5, v18, v12  }
0xc2: {  	vm6 =	vgt.f32 v57, v12  }
0xc3: {  	v14 =	vmin.f32 v14, v56;
	v12 =	vsel vm6, v57, v12  }
0xc4: {  	vm7 =	vgt.f32 v14, v12  }
0xc5: {  	v9 =	vsel vm0, v10, v9;
	v58 =	vsel vm7, v14, v12  }
0xc6: {  	v9 =	vsel vm1, v13, v9;
	(xrf0) =	vmax.scan.msk.f32 $0xffff, v58  }
0xc7: {  	v9 =	vsel vm2, v11, v9  }
0xc8: {  	s11 =	sadd.s32 $0x50, s10;
	v8 =	vsel vm3, v8, v9  }
0xc9: {  	s15 =	sadd.s32 $0x60, s10;
	v59 =	vor.u32 s11, v0;
	v7 =	vsel vm4, v7, v8  }
0xca: {  	s16 =	sadd.s32 $0x70, s10;
	v60 =	vor.u32 s15, v0;
	v7 =	vsel vm5, v59, v7  }
0xcb: {  	v61 =	vor.u32 s16, v0;
	v7 =	vsel vm6, v60, v7  }
0xcc: {  	v7 =	vsel vm7, v61, v7;
	v62, _, _ =	vpop (xrf0)  }
0xcd: {  	vm14 =	vlt.s32 v7, $0x1000;
	v63 =	vbroadcast v62, $0xF  }
0xce: {  	v7 =	vnsel vm14, $0x1000, v7  }
0xcf: {  	v7 =	vxor.u32 $0x80000000, v7;
	vm15 =	veq.f32 v58, v63  }
0xd0: {  	v7 =	vnsel vm15, $0x80001000, v7  }
0xd1: {  	(xrf0) =	vmin.scan.msk.u32 $0xffff, v7;
	_ =	sdelay $0x5  }
0xd2: {  	v7, _, _ =	vpop (xrf0)  }
0xd3: {  	(v2sf) =	vpush v7, $0xF  }
0xd4: {  	(v2sf) =	vpush v62, $0xF;
	_ =	sdelay $0x8  }
0xd5: {  	[tilespmem:s8+$0x0] =	vst v17  }
0xd6: {  	[tilespmem:s8+$0x10] =	vst v18  }
0xd7: {  	[tilespmem:s8+$0x20] =	vst v57  }
0xd8: {  	[tilespmem:s8+$0x30] =	vst v14  }
0xd9: {  	s10 =	sand.u32 $0x1, s6;
	[tilespmem:s8+$0xFFFFFFC0] =	vst v6  }
0xda: {  	s12 =	smov.u32 s7;
	p0 =	seq.s32 s10, $0x0;
	[tilespmem:s8+$0xFFFFFFD0] =	vst v5;
	s25 =	spop (v2sf)  }
0xdb: {  	s12 =	smov.u32 @p0 s5;
	[tilespmem:s8+$0xFFFFFFE0] =	vst v23;
	s14 =	spop (v2sf)  }
0xdc: {  	s16 =	sor.u32 s22, s10;
	[tilespmem:s8+$0xFFFFFFF0] =	vst v4;
	[sflag:s20] =	ssyncset.done $0x0;
	s15 =	ssub.s32 s14, s12  }
0xdd: {  	[smem:s16], [sflag:$0x2] =	smem.add.s32 s15  }
0xde: {  	s8 =	smov.u32 s4;
	_ =	swait.done [sflag:s20]  }
0xdf: {  	s8 =	smov.u32 @p0 s1;
	[sflag:s20] =	ssyncset.s32 $0x0  }
0xe0: {  	s11 =	sxor.u32 $0x80000000, s25;
	s25 =	sor.u32 $0x80, s10;
	[sflag:s20] =	ssyncset.done $0x0  }
0xe1: {  	s8 =	ssub.s32 s11, s8;
	s15 =	sor.u32 s22, s25;
	[sflag:s28] =	ssyncset.done $0x0  }
0xe2: {  	[smem:s15], [sflag:$0x3] =	smem.add.s32 s8  }
0xe3: {  	_ =	swait.done [sflag:s28]  }
0xe4: {  	[sflag:s28] =	ssyncset.s32 $0x0  }
0xe5: {  	[sflag:s28] =	ssyncset.done $0x0  }
0xe6: {  	[bflag:$0x0] =	sbarrier.arrive $0xFFFF  }
0xe7: {  	s12 =	sld [smem:s25+$0x0]  }
0xe8: {  	s10 =	sld [smem:s10+$0x0]  }
0xe9: {  	s6 =	sadd.s32 $0x1, s6;
	s5 =	smov.u32 @p0 s14;
	s1 =	smov.u32 @p0 s11  }
0xea: {  	s15 =	smov.u32 s11;
	s8 =	smov.u32 s11;
	p1 =	slt.s32 s12, s11  }
0xeb: {  	p2 =	seq.s32 s10, s14;
	s11 =	smov.u32 @p0 s4;
	s15 =	smov.u32 @p1 s12  }
0xec: {  	p1 =	sgt.s32 s10, s14;
	s14 =	smov.u32 @p0 s7;
	p0 =	sne.s32 s6, $0x400  }
.Ltmp2:
0xed: {  	_ = 	snop;
	(pc) =	sbr.rel @p0 .LBB2_4-.Ltmp2, $3  }
0xee: {  	_ =	sdelay $0x1  }
0xef: {  	s8 =	smov.u32 @p2 s15  }
0xf0: {  	s4 =	smov.u32 s11;
	s7 =	smov.u32 s14;
	s8 =	smov.u32 @p1 s12  }
0xf1: {  	s0 =	simm.s32 $0x0;
	s4 =	simm.s32 $0x10  }
0xf2: {  	s15 =	simm.s32 $0x20;
	s6 =	simm.s32 $0x30;
	s1 =	sand.u32 $0x180, s0  }
0xf3: {  	s4 =	sand.u32 $0x70, s4;
	s5 =	sand.u32 $0x180, s15;
	s1 =	sadd.s32 s1, s9  }
0xf4: {  	s6 =	sand.u32 $0x70, s6;
	s5 =	sadd.s32 s5, s9;
	s4 =	sadd.s32 s4, s1  }
0xf5: {  	s0 =	sand.u32 $0x60, s0;
	s6 =	sadd.s32 s6, s5;
	v8 =	vld [tilespmem:s4+$0x0]  }
0xf6: {  	s16 =	sand.u32 $0x60, s15;
	s0 =	sadd.s32 s0, s1;
	v10 =	vld [tilespmem:s6+$0x0];
	s6 =	simm.s32 $0x40  }
0xf7: {  	s8 =	simm.s32 $0x50;
	v11 =	vld [tilespmem:s0+$0x0];
	s0 =	sadd.s32 s16, s5;
	s7 =	sand.u32 $0x180, s6  }
0xf8: {  	s5 =	sand.u32 $0x70, s8;
	v7 =	vld [tilespmem:s0+$0x0];
	s0 =	sadd.s32 s7, s9  }
0xf9: {  	s5 =	sadd.s32 s5, s0  }
0xfa: {  	v14 =	vld [tilespmem:s5+$0x0];
	_ =	sdelay $0x3  }
0xfb: {  	v4 =	vld.idx.msk [tilespmem:v8+s3+$0x0], $0xffff  }
0xfc: {  	v9 =	vld.idx.msk [tilespmem:v11+s3+$0x0], $0xffff  }
0xfd: {  	v6 =	vld.idx.msk [tilespmem:v10+s3+$0x0], $0xffff  }
0xfe: {  	s4 =	sand.u32 $0x60, s6;
	v12 =	vld.idx.msk [tilespmem:v7+s3+$0x0], $0xffff  }
0xff: {  	s25 =	simm.s32 $0x4E90;
	s0 =	sadd.s32 s4, s0;
	v15 =	vld.idx.msk [tilespmem:v14+s3+$0x0], $0xffff  }
0x100: {  	s12 =	simm.s32 $0x60;
	[tilespmem:s25+$0x0] =	vst v4;
	v4 =	vld [tilespmem:s0+$0x0]  }
0x101: {  	s11 =	simm.s32 $0x4EB0;
	s14 =	sand.u32 $0x180, s12;
	s15 =	simm.s32 $0x70;
	[tilespmem:s25+$0xFFFFFFF0] =	vst v9;
	v5 =	vld.idx.msk [tilespmem:v8+s21+$0x0], $0xffff  }
0x102: {  	s1 =	sadd.s32 s14, s9;
	s6 =	sand.u32 $0x70, s15;
	[tilespmem:s11+$0x0] =	vst v6;
	v13 =	vld.idx.msk [tilespmem:v11+s21+$0x0], $0xffff  }
0x103: {  	s6 =	sadd.s32 s6, s1;
	v9 =	vld.idx.msk [tilespmem:v10+s21+$0x0], $0xffff  }
0x104: {  	v6 =	vld [tilespmem:s6+$0x0];
	s25 =	simm.s32 $0x4ED0;
	[tilespmem:s11+$0xFFFFFFF0] =	vst v12  }
0x105: {  	s10 =	simm.s32 $0x5090;
	[tilespmem:s25+$0x0] =	vst v15  }
0x106: {  	v15 =	vld.idx.msk [tilespmem:v7+s21+$0x0], $0xffff;
	[tilespmem:s10+$0x0] =	vst v5  }
0x107: {  	s16 =	simm.s32 $0x50B0;
	[tilespmem:s10+$0xFFFFFFF0] =	vst v13;
	v13 =	vld.idx.msk [tilespmem:v14+s21+$0x0], $0xffff  }
0x108: {  	[tilespmem:s16+$0x0] =	vst v9;
	v5 =	vld.idx.msk [tilespmem:v8+s23+$0x0], $0xffff  }
0x109: {  	v9 =	vld.idx.msk [tilespmem:v10+s23+$0x0], $0xffff  }
0x10a: {  	v17 =	vld.idx.msk [tilespmem:v11+s23+$0x0], $0xffff  }
0x10b: {  	s8 =	simm.s32 $0x5290;
	s4 =	sand.u32 $0x60, s12;
	s10 =	simm.s32 $0x80;
	v12 =	vld.idx.msk [tilespmem:v4+s3+$0x0], $0xffff  }
0x10c: {  	s15 =	simm.s32 $0x90;
	s1 =	sadd.s32 s4, s1;
	s14 =	sand.u32 $0x180, s10;
	v18 =	vld.idx.msk [tilespmem:v6+s3+$0x0], $0xffff;
	[tilespmem:s16+$0xFFFFFFF0] =	vst v15  }
0x10d: {  	s6 =	sand.u32 $0x70, s15;
	s11 =	simm.s32 $0x52B0;
	s5 =	sadd.s32 s14, s9;
	[tilespmem:s8+$0x0] =	vst v5;
	v5 =	vld [tilespmem:s1+$0x0]  }
0x10e: {  	s6 =	sadd.s32 s6, s5;
	[tilespmem:s11+$0x0] =	vst v9;
	v16 =	vld.idx.msk [tilespmem:v8+s24+$0x0], $0xffff  }
0x10f: {  	v9 =	vld [tilespmem:s6+$0x0];
	s6 =	simm.s32 $0x50D0;
	[tilespmem:s8+$0xFFFFFFF0] =	vst v17  }
0x110: {  	[tilespmem:s6+$0x0] =	vst v13;
	v21 =	vld.idx.msk [tilespmem:v11+s24+$0x0], $0xffff  }
0x111: {  	s16 =	simm.s32 $0x4EF0;
	[tilespmem:s25+$0xFFFFFFF0] =	vst v12;
	v12 =	vld.idx.msk [tilespmem:v14+s23+$0x0], $0xffff  }
0x112: {  	s7 =	simm.s32 $0x5490;
	s12 =	simm.s32 $0x4C90;
	s8 =	simm.s32 $0xA0;
	[tilespmem:s16+$0x0] =	vst v18;
	v15 =	vld.idx.msk [tilespmem:v4+s21+$0x0], $0xffff  }
0x113: {  	s14 =	simm.s32 $0xB0;
	s1 =	sand.u32 $0x60, s10;
	s10 =	sand.u32 $0x180, s8;
	[tilespmem:s12+$0x0] =	vst v16;
	v16 =	vld.idx.msk [tilespmem:v10+s24+$0x0], $0xffff  }
0x114: {  	s14 =	sand.u32 $0x70, s14;
	v8 =	vadd.s32 v2, v8;
	s1 =	sadd.s32 s1, s5;
	v18 =	vld.idx.msk [tilespmem:v6+s21+$0x0], $0xffff;
	s10 =	sadd.s32 s10, s9  }
0x115: {  	s14 =	sadd.s32 s14, s10;
	[tilespmem:s7+$0x0] =	vst v8;
	v8 =	vld [tilespmem:s1+$0x0]  }
0x116: {  	s0 =	simm.s32 $0x52D0;
	v17 =	vld [tilespmem:s14+$0x0];
	[tilespmem:s12+$0xFFFFFFF0] =	vst v21  }
0x117: {  	s5 =	simm.s32 $0x4CB0;
	[tilespmem:s0+$0x0] =	vst v12;
	v13 =	vld.idx.msk [tilespmem:v5+s3+$0x0], $0xffff  }
0x118: {  	s15 =	sand.u32 $0x60, s8;
	[tilespmem:s5+$0x0] =	vst v16;
	v16 =	vld.idx.msk [tilespmem:v7+s23+$0x0], $0xffff  }
0x119: {  	s25 =	sadd.s32 s15, s10;
	s10 =	simm.s32 $0x50F0;
	[tilespmem:s6+$0xFFFFFFF0] =	vst v15;
	v22 =	vld.idx.msk [tilespmem:v9+s3+$0x0], $0xffff  }
0x11a: {  	s4 =	simm.s32 $0x54B0;
	v10 =	vadd.s32 v2, v10;
	[tilespmem:s10+$0x0] =	vst v18;
	v24 =	vld.idx.msk [tilespmem:v14+s24+$0x0], $0xffff  }
0x11b: {  	v19 =	vld.idx.msk [tilespmem:v6+s23+$0x0], $0xffff;
	[tilespmem:s4+$0x0] =	vst v10  }
0x11c: {  	v20 =	vadd.s32 v2, v11;
	v10 =	vld [tilespmem:s25+$0x0];
	[tilespmem:s16+$0xFFFFFFF0] =	vst v13  }
0x11d: {  	v11 =	vadd.s32 v2, v5;
	v18 =	vadd.s32 v2, v7;
	v23 =	vld.idx.msk [tilespmem:v8+s3+$0x0], $0xffff;
	[tilespmem:s11+$0xFFFFFFF0] =	vst v16;
	s11 =	simm.s32 $0x4F10  }
0x11e: {  	s6 =	simm.s32 $0x4CD0;
	v12 =	vadd.s32 v2, v8;
	v13 =	vadd.s32 v2, v4;
	[tilespmem:s11+$0x0] =	vst v22;
	v22 =	vld.idx.msk [tilespmem:v5+s21+$0x0], $0xffff  }
0x11f: {  	s12 =	simm.s32 $0x52D0;
	s1 =	simm.s32 $0x54D0;
	v15 =	vmovc v9;
	[tilespmem:s6+$0x0] =	vst v24;
	v24 =	vadd.s32 v2, v14;
	v14 =	vmov v17;
	v16 =	vmov v6;
	v21 =	vld.idx.msk [tilespmem:v9+s21+$0x0], $0xffff  }
.LBB2_8:
0x120: {  	v25 =	vmov v9;
	v9 =	vmov v17;
	_ =	sdelay $0x2  }
0x121: {  	v17 =	vadd.s32 v2, v10;
	s14 =	smov.u32 s8;
	s8 =	sadd.s32 $0x20, s8;
	v26 =	vld.idx.msk [tilespmem:v4+s23+$0x0], $0xffff;
	[tilespmem:s1+$0x0] =	vst v24  }
0x122: {  	s0 =	sadd.s32 $0x20, s0;
	s15 =	sand.u32 $0x180, s8;
	s14 =	sadd.s32 $0x30, s14;
	v24 =	vld.idx.msk [tilespmem:v7+s24+$0x0], $0xffff;
	[tilespmem:s7+$0xFFFFFFF0] =	vst v20;
	v20 =	vmovc v18;
	v18 =	vmovc v13;
	v13 =	vmov v11;
	v11 =	vmov v12;
	v12 =	vmov v17  }
0x123: {  	s7 =	sand.u32 $0x60, s8;
	s15 =	sadd.s32 s15, s9;
	s14 =	sand.u32 $0x70, s14;
	v7 =	vmovc v4;
	v4 =	vmov v5;
	v5 =	vmov v8;
	v8 =	vmov v10;
	v27 =	vld.idx.msk [tilespmem:v9+s3+$0x0], $0xffff;
	[tilespmem:s0+$0x0] =	vst v19  }
0x124: {  	p0 =	slt.u32 s8, $0x1E0;
	s16 =	sadd.s32 s7, s15;
	s7 =	sadd.s32 s14, s15;
	[tilespmem:s11+$0xFFFFFFF0] =	vst v23;
	v28 =	vld.idx.msk [tilespmem:v6+s24+$0x0], $0xffff;
	v6 =	vmov v25  }
0x125: {  	v17 =	vld [tilespmem:s7+$0x0];
	[tilespmem:s10+$0xFFFFFFF0] =	vst v22;
	s10 =	sadd.s32 $0x20, s10;
	s7 =	smov.u32 s4;
	s4 =	smov.u32 s1  }
.Ltmp3:
0x126: {  	v10 =	vld [tilespmem:s16+$0x0];
	[tilespmem:s10+$0x0] =	vst v21;
	(pc) =	sbr.rel @p0 .LBB2_8-.Ltmp3, $4  }
0x127: {  	v19 =	vld.idx.msk [tilespmem:v15+s23+$0x0], $0xffff;
	[tilespmem:s12+$0xFFFFFFF0] =	vst v26;
	s12 =	smov.u32 s0  }
0x128: {  	s11 =	sadd.s32 $0x20, s11;
	v23 =	vld.idx.msk [tilespmem:v8+s3+$0x0], $0xffff;
	[tilespmem:s5+$0xFFFFFFF0] =	vst v24;
	s5 =	smov.u32 s6  }
0x129: {  	s6 =	sadd.s32 $0x20, s6;
	[tilespmem:s11+$0x0] =	vst v27;
	v22 =	vld.idx.msk [tilespmem:v5+s21+$0x0], $0xffff  }
0x12a: {  	s1 =	sadd.s32 $0x20, s1;
	v24 =	vadd.s32 v2, v16;
	v16 =	vmovc v15;
	v15 =	vmov v14;
	v21 =	vld.idx.msk [tilespmem:v14+s21+$0x0], $0xffff;
	[tilespmem:s6+$0x0] =	vst v28;
	v14 =	vmov v17  }
0x12b: {  	_ =	sdelay $0x2  }
0x12c: {  	[tilespmem:s7+$0xFFFFFFF0] =	vst v20  }
0x12d: {  	v25 =	vld.idx.msk [tilespmem:v4+s23+$0x0], $0xffff;
	s0 =	sadd.s32 $0x20, s0;
	[tilespmem:s1+$0x0] =	vst v24  }
0x12e: {  	v7 =	vld.idx.msk [tilespmem:v7+s24+$0x0], $0xffff;
	[tilespmem:s0+$0x0] =	vst v19  }
0x12f: {  	v26 =	vld.idx.msk [tilespmem:v17+s3+$0x0], $0xffff;
	[tilespmem:s11+$0xFFFFFFF0] =	vst v23  }
0x130: {  	v53 =	vld.idx.msk [tilespmem:v10+s3+$0x0], $0xffff;
	s16 =	sadd.s32 $0x20, s10;
	[tilespmem:s10+$0xFFFFFFF0] =	vst v22  }
0x131: {  	[tilespmem:s16+$0x0] =	vst v21  }
0x132: {  	v6 =	vld.idx.msk [tilespmem:v6+s24+$0x0], $0xffff;
	[tilespmem:s12+$0xFFFFFFF0] =	vst v25  }
0x133: {  	s15 =	sadd.s32 $0x20, s11;
	v54 =	vld.idx.msk [tilespmem:v8+s21+$0x0], $0xffff;
	[tilespmem:s5+$0xFFFFFFF0] =	vst v7  }
0x134: {  	v57 =	vld.idx.msk [tilespmem:v5+s23+$0x0], $0xffff;
	[tilespmem:s15+$0x0] =	vst v26  }
0x135: {  	[tilespmem:s15+$0xFFFFFFF0] =	vst v53;
	v55 =	vld.idx.msk [tilespmem:v14+s21+$0x0], $0xffff  }
0x136: {  	s25 =	sadd.s32 $0x20, s6;
	[tilespmem:s4+$0xFFFFFFF0] =	vst v18;
	v56 =	vld.idx.msk [tilespmem:v10+s21+$0x0], $0xffff  }
0x137: {  	v58 =	vld.idx.msk [tilespmem:v15+s23+$0x0], $0xffff;
	[tilespmem:s25+$0x0] =	vst v6  }
0x138: {  	v4 =	vld.idx.msk [tilespmem:v4+s24+$0x0], $0xffff;
	[tilespmem:s16+$0xFFFFFFF0] =	vst v54  }
0x139: {  	s4 =	sadd.s32 $0x20, s16;
	[tilespmem:s0+$0xFFFFFFF0] =	vst v57  }
0x13a: {  	v7 =	vld.idx.msk [tilespmem:v8+s23+$0x0], $0xffff;
	[tilespmem:s4+$0x0] =	vst v55  }
0x13b: {  	s0 =	sadd.s32 $0x20, s0;
	[tilespmem:s4+$0xFFFFFFF0] =	vst v56;
	v59 =	vld.idx.msk [tilespmem:v14+s23+$0x0], $0xffff  }
0x13c: {  	[tilespmem:s0+$0x0] =	vst v58;
	v60 =	vld.idx.msk [tilespmem:v10+s23+$0x0], $0xffff  }
0x13d: {  	v5 =	vld.idx.msk [tilespmem:v5+s24+$0x0], $0xffff;
	[tilespmem:s6+$0xFFFFFFF0] =	vst v4  }
0x13e: {  	[tilespmem:s1+$0xFFFFFFF0] =	vst v13  }
0x13f: {  	v61 =	vld.idx.msk [tilespmem:v9+s24+$0x0], $0xffff;
	[tilespmem:s0+$0xFFFFFFF0] =	vst v7;
	s0 =	sadd.s32 $0x20, s0  }
0x140: {  	v62 =	vld.idx.msk [tilespmem:v8+s24+$0x0], $0xffff;
	[tilespmem:s0+$0x0] =	vst v59  }
0x141: {  	[tilespmem:s0+$0xFFFFFFF0] =	vst v60;
	v4 =	vld.idx.msk [tilespmem:v17+s24+$0x0], $0xffff  }
0x142: {  	s1 =	sadd.s32 $0x20, s1;
	[tilespmem:s25+$0xFFFFFFF0] =	vst v5;
	v63 =	vld.idx.msk [tilespmem:v10+s24+$0x0], $0xffff  }
0x143: {  	[tilespmem:s1+$0xFFFFFFF0] =	vst v11;
	s0 =	sadd.s32 $0x20, s25  }
0x144: {  	[tilespmem:s0+$0x0] =	vst v61  }
0x145: {  	[tilespmem:s0+$0xFFFFFFF0] =	vst v62;
	s0 =	sadd.s32 $0x20, s0  }
0x146: {  	[tilespmem:s0+$0x0] =	vst v4  }
0x147: {  	[tilespmem:s0+$0xFFFFFFF0] =	vst v63;
	v4 =	vadd.s32 v2, v16  }
0x148: {  	s0 =	sadd.s32 $0x20, s1;
	[tilespmem:s1+$0x0] =	vst v4  }
0x149: {  	v4 =	vadd.s32 v2, v15;
	[tilespmem:s0+$0xFFFFFFF0] =	vst v12  }
0x14a: {  	[tilespmem:s0+$0x0] =	vst v4;
	v4 =	vadd.s32 v2, v14;
	s0 =	sadd.s32 $0x20, s0  }
0x14b: {  	v5 =	vadd.s32 v2, v10;
	[tilespmem:s0+$0x0] =	vst v4  }
0x14c: {  	[tilespmem:s0+$0xFFFFFFF0] =	vst v5  }
0x14d: {  	s4 =	simm.s32 $0x4E80;
	s0 =	rddreg [dreg:$0xa]  }
0x14e: {  	[hbm4b:s0+s3] =	stream.linear.scatter [tilespmem:s4], [sflag:$0x2], $0x200, $0x38;
	[tilespmem:$0xD680] =	vst v63  }
0x14f: {  	_ =	swait.ge [sflag:s20], $0x200  }
0x150: {  	[sflag:s20] =	ssyncset.done $0x0  }
0x151: {  	s6 =	simm.s32 $0x5080;
	s5 =	rddreg [dreg:$0xb];
	[sflag:s20] =	ssyncadd.s32 $0xFFFFFE00  }
0x152: {  	[hbm4b:s5+s3] =	stream.linear.scatter [tilespmem:s6], [sflag:$0x2], $0x200, $0x38;
	[tilespmem:$0xD680] =	vst v63  }
0x153: {  	_ =	swait.ge [sflag:s20], $0x200  }
0x154: {  	[sflag:s20] =	ssyncset.done $0x0  }
0x155: {  	s8 =	simm.s32 $0x5280;
	s7 =	rddreg [dreg:$0xc];
	[sflag:s20] =	ssyncadd.s32 $0xFFFFFE00  }
0x156: {  	[hbm4b:s7+s3] =	stream.linear.scatter [tilespmem:s8], [sflag:$0x2], $0x200, $0x38;
	[tilespmem:$0xD680] =	vst v63  }
0x157: {  	_ =	swait.ge [sflag:s20], $0x200  }
0x158: {  	[sflag:s20] =	ssyncset.done $0x0  }
0x159: {  	s11 =	simm.s32 $0x4C80;
	s10 =	rddreg [dreg:$0xd];
	[sflag:s20] =	ssyncadd.s32 $0xFFFFFE00  }
0x15a: {  	[hbm4b:s10+s3] =	stream.linear.scatter [tilespmem:s11], [sflag:$0x2], $0x200, $0x38;
	[tilespmem:$0xD680] =	vst v63  }
0x15b: {  	_ =	swait.ge [sflag:s20], $0x200  }
0x15c: {  	[sflag:s20] =	ssyncset.done $0x0  }
0x15d: {  	[sflag:s20] =	ssyncadd.s32 $0xFFFFFE00  }
0x15e: {  	s14 =	simm.s32 $0x5480;
	s12 =	rddreg [dreg:$0x1]  }
0x15f: {  	[tilespmem:s30], [sflag:$0x1] =	stream.indirect.gather [hbm4b:s12+s2], $0x80, s14, s2, $0xb8;
	[tilespmem:$0xD680] =	vst v63  }
0x160: {  	_ =	swait.ge [sflag:s31], $0x8000  }
0x161: {  	[sflag:s31] =	ssyncset.done $0x0  }
0x162: {  	[sflag:s31] =	ssyncadd.s32 $0xFFFF8000  }
0x163: {  	[hbm4b:s13+s3] =	stream.linear.scatter [tilespmem:s30], [sflag:$0x2], $0x8000, $0x38;
	[tilespmem:$0xD680] =	vst v63  }
0x164: {  	_ =	swait.ge [sflag:s20], $0x8000  }
0x165: {  	[sflag:s20] =	ssyncset.done $0x0  }
0x166: {  	s15 =	simm.s32 $0x5580;
	[sflag:s20] =	ssyncadd.s32 $0xFFFF8000  }
0x167: {  	[tilespmem:s30], [sflag:$0x1] =	stream.indirect.gather [hbm4b:s12+s2], $0x80, s15, s2, $0xb8;
	[tilespmem:$0xD680] =	vst v63  }
0x168: {  	_ =	swait.ge [sflag:s31], $0x8000  }
0x169: {  	[sflag:s31] =	ssyncset.done $0x0  }
0x16a: {  	s16 =	rddreg [dreg:$0xf];
	[sflag:s31] =	ssyncadd.s32 $0xFFFF8000  }
0x16b: {  	[hbm4b:s16+s3] =	stream.linear.scatter [tilespmem:s30], [sflag:$0x2], $0x8000, $0x38;
	[tilespmem:$0xD680] =	vst v63  }
0x16c: {  	_ =	swait.ge [sflag:s20], $0x8000  }
0x16d: {  	s29 =	sadd.s32 $0x1, s29;
	s25 =	rddreg [dreg:$0xe]  }
0x16e: {  	p0 =	sne.s32 s29, s25  }
.Ltmp4:
0x16f: {  	_ = 	snop;
	(pc) =	sbr.rel @p0 .LBB2_1-.Ltmp4, $3  }
0x170: {  	_ =	sdelay $0x1  }
0x171: {  	[sflag:s20] =	ssyncset.done $0x0  }
0x172: {  	s4 =	simm.s32 $0x3C00;
	[sflag:s20] =	ssyncadd.s32 $0xFFFF8000  }
0x173: {  	_ =	sfence.sel $0x180000  }
0x174: {  	[bflag:$0x0] =	sbarrier.arrive $0xFFFF  }
0x175: {  	_ =	strace $0x90000047  }
0x176: {  	s0 =	stileid.u32;
	[bflag:$0x2] =	sbarrier.arrive $0xFFFF  }
0x177: {  	p0 =	sne.s32 s0, $0x0;
	s0 =	rddreg [dreg:$0x4]  }
0x178: {  	s0 =	sadd.s32 @!p0 $0x100000, s0  }
0x179: {  	[sflag:s0] =	ssyncadd.tile.s32 @!p0 $0x1;
	_ =	shalt  }
.Lfunc_end2:
_tile_overlayer_lowered:
.L_overlay_start_2:
0x17a: {  	(tag) =	ssettag $0x2  }
0x17b: {  	s0 =	rddreg [dreg:$0x0];
	s2 =	stileid.u32  }
0x17c: {  	s1 =	rddreg [dreg:$0x1];
	p0 =	sne.s32 s2, $0x0  }
0x17d: {  	s3 =	rddreg [dreg:$0x2];
	[bflag:$0x3] =	sbarrier.arrive $0xFFFF;
	s2 =	simm.s32 @!p0 $0x1C02  }
0x17e: {  	[timem:s3], [sflag:s2] =	dma.local @!p0 [hbm:s0], s1  }
0x17f: {  	s0 =	simm.s32 @!p0 $0x2  }
0x180: {  	_ =	swait.ge @!p0 [sflag:s0], s1  }
0x181: {  	s1 =	ssub.s32 @!p0 $0x0, s1;
	[sflag:s0] =	ssyncset.done @!p0 $0x0  }
0x182: {  	[sflag:s0] =	ssyncadd.s32 @!p0 s1  }
0x183: {  	[bflag:$0x3] =	sbarrier.arrive $0xFFFF  }
0x184: {  	_ =	shalt  }

</sc_bundles>
